<compile_context>
chip_gen: v7x
topology: tpu7x:2x2x1
jax: 0.10.2.dev20260603
libtpu: 0.0.44.dev20260713+nightly
codegen_flags: <defaults>
</compile_context>

<pallas_src>
import jax
import jax.numpy as jnp
from jax import lax
from jax.experimental import pallas as pl
from jax.experimental.pallas import tpu as pltpu
from jax.experimental.pallas import tpu_sc as plsc

D = 768
N_ROWS = 4 * 8192
NC, NS, L = 2, 16, 16
NW = NC * NS
ROWS_PER_W = N_ROWS // NW
C = 32
N_CHUNKS = ROWS_PER_W // C
LANES_PER_ROW = D // L


def _sc_body(x_hbm, idx_hbm, table_hbm, alpha_hbm, out_hbm,
             idx_v, rows_v, x_v, alpha_v, sem_g, sem_x, sem_o):
    wid = lax.axis_index("s") * NC + lax.axis_index("c")
    w_base = wid * ROWS_PER_W

    pltpu.sync_copy(idx_hbm.at[pl.ds(w_base, ROWS_PER_W)], idx_v)
    pltpu.sync_copy(alpha_hbm, alpha_v)
    alpha = alpha_v[...]

    def issue_loads(c, b):
        pltpu.make_async_copy(
            table_hbm.at[idx_v.at[pl.ds(c * C, C)]], rows_v.at[b],
            sem_g.at[b]).start()
        pltpu.make_async_copy(
            x_hbm.at[pl.ds(w_base + c * C, C), :], x_v.at[b],
            sem_x.at[b]).start()

    issue_loads(0, 0)

    @pl.loop(0, N_CHUNKS)
    def _chunk(cur):
        b = lax.rem(cur, 2)
        nb = 1 - b

        @pl.when(cur + 1 < N_CHUNKS)
        def _():
            @pl.when(cur >= 1)
            def _():
                pltpu.make_async_copy(
                    x_v.at[nb], out_hbm.at[pl.ds(0, C), :],
                    sem_o.at[nb]).wait()
            issue_loads(cur + 1, nb)

        pltpu.make_async_copy(
            table_hbm.at[idx_v.at[pl.ds(cur * C, C)]], rows_v.at[b],
            sem_g.at[b]).wait()
        pltpu.make_async_copy(
            x_hbm.at[pl.ds(0, C), :], x_v.at[b], sem_x.at[b]).wait()

        @pl.loop(0, C)
        def _row(r):
            for j in range(LANES_PER_ROW):
                sl = pl.ds(j * L, L)
                x_v[b, r, sl] = rows_v[b, r, sl] * alpha + x_v[b, r, sl]

        pltpu.make_async_copy(
            x_v.at[b], out_hbm.at[pl.ds(w_base + cur * C, C), :],
            sem_o.at[b]).start()

    for b in (0, 1):
        pltpu.make_async_copy(
            x_v.at[b], out_hbm.at[pl.ds(0, C), :], sem_o.at[b]).wait()


@jax.jit
def _sc_call(x2, idx, table, alpha16):
    mesh = plsc.VectorSubcoreMesh(
        core_axis_name="c", subcore_axis_name="s", num_cores=NC,
        num_subcores=NS)
    return pl.kernel(
        _sc_body,
        out_type=jax.ShapeDtypeStruct((N_ROWS, D), jnp.float32),
        mesh=mesh,
        scratch_types=[
            pltpu.VMEM((ROWS_PER_W,), jnp.int32),
            pltpu.VMEM((2, C, D), jnp.float32),
            pltpu.VMEM((2, C, D), jnp.float32),
            pltpu.VMEM((L,), jnp.float32),
            pltpu.SemaphoreType.DMA((2,)),
            pltpu.SemaphoreType.DMA((2,)),
            pltpu.SemaphoreType.DMA((2,)),
        ],
    )(x2, idx, table, alpha16)


def kernel(x, pos, table, alpha):
    b, s, d = x.shape
    x2 = x.reshape(b * s, d)
    idx = pos.reshape(b * s)
    alpha16 = jnp.broadcast_to(alpha, (L,))
    out = _sc_call(x2, idx, table, alpha16)
    return out.reshape(b, s, d)

# --- scband reference (transcript-rebuilt; emitter-appended) ---
"""Pipeline reference for scband-scaled-positional-encoding-24927990186255 (READ-ONLY COPY).

The authoritative reference and input builder live on the scoring server;
editing this copy changes nothing except your own understanding.
"""

import jax, jax.numpy as jnp
import numpy as np

D_MODEL = 768
N_POSITION = 8192
BATCH = 4
SEQ = 8192

def get_sinusoid_encoding_table(n_position, num_hidden, padding_idx=None):
    pos = np.arange(n_position)[:, None].astype(np.float64)
    hid = np.arange(num_hidden)[None, :]
    angle = pos / np.power(10000, 2 * (hid // 2) / num_hidden)
    table = angle.copy()
    table[:, 0::2] = np.sin(angle[:, 0::2])
    table[:, 1::2] = np.cos(angle[:, 1::2])
    if padding_idx is not None:
        table[padding_idx] = 0.0
    return jnp.asarray(table, dtype=jnp.float32)

def setup_inputs(seed: int = 0) -> dict:
    key = jax.random.key(seed)
    kx, kp = jax.random.split(key)
    x = jax.random.normal(kx, (BATCH, SEQ, D_MODEL), dtype=jnp.float32)
    pos = jax.random.randint(kp, (BATCH, SEQ), 0, N_POSITION, dtype=jnp.int64 if jax.config.jax_enable_x64 else jnp.int32).astype(jnp.int32)
    table = get_sinusoid_encoding_table(N_POSITION, D_MODEL)
    alpha = jnp.ones((1,), dtype=jnp.float32)
    return {"x": x, "pos": pos, "table": table, "alpha": alpha}

def reference(x, pos, table, alpha):
    # Embedding lookup of positional encodings (gather)
    pos_emb = jnp.take(table, pos, axis=0)  # [B, S, D]
    out = pos_emb * alpha + x
    # dropout is identity in eval mode
    return out

if __name__ == "__main__":
    import jax
    _d = setup_inputs()
    print(jax.jit(kernel)(*tuple(_d.values())))

</pallas_src>

<mosaic_0001>
#map = affine_map<(d0, d1) -> (0, 0)>
#map1 = affine_map<(d0, d1) -> (0)>
module attributes {stable_mosaic.version = 14 : i64} {
  func.func @_sc_body(%arg0: i32, %arg1: i32, %arg2: memref<32768x768xf32, #tpu.memory_space<hbm>>, %arg3: memref<32768xi32, #tpu.memory_space<hbm>>, %arg4: memref<8192x768xf32, #tpu.memory_space<hbm>>, %arg5: memref<16xf32, #tpu.memory_space<hbm>>, %arg6: memref<32768x768xf32, #tpu.memory_space<hbm>>, %arg7: memref<1024xi32, #tpu.memory_space<vmem>>, %arg8: memref<2x32x768xf32, #tpu.memory_space<vmem>>, %arg9: memref<2x32x768xf32, #tpu.memory_space<vmem>>, %arg10: memref<16xf32, #tpu.memory_space<vmem>>, %arg11: memref<2x!tpu.dma_semaphore, #tpu.memory_space<semaphore_mem>>, %arg12: memref<2x!tpu.dma_semaphore, #tpu.memory_space<semaphore_mem>>, %arg13: memref<2x!tpu.dma_semaphore, #tpu.memory_space<semaphore_mem>>) attributes {dimension_semantics = [#tpu.dimension_semantics<core_parallel>, #tpu.dimension_semantics<subcore_parallel>], iteration_bounds = array<i64: 2, 16>, scalar_prefetch = 0 : i64, scratch_operands = 7 : i64, tpu.core_type = #tpu.core_type<sc_vector_subcore>, window_params = [{transform_indices = #map}, {transform_indices = #map1}, {transform_indices = #map}, {transform_indices = #map1}, {transform_indices = #map}]} {
    %mul3A = arith.constant 2 : i32
    %mul3A_0 = arith.muli %arg1, %mul3A : i32
    %add3A = arith.addi %mul3A_0, %arg0 : i32
    %mul3A_1 = arith.constant 1024 : i32
    %mul3A_2 = arith.muli %add3A, %mul3A_1 : i32
    "tpu.region"() ({
      %run_scoped3A = tpu.sem_alloc : memref<!tpu.dma_semaphore, #tpu.memory_space<semaphore_mem>>
      %dma_start3A_74 = tpu.memref_slice %arg3[%mul3A_2] : memref<32768xi32, #tpu.memory_space<hbm>> -> memref<1024xi32, #tpu.memory_space<hbm>>
      %dma_start3A_75 = tpu.memref_slice %arg3[%mul3A_2] : memref<32768xi32, #tpu.memory_space<hbm>> -> memref<1024xi32, #tpu.memory_space<hbm>>
      tpu.enqueue_dma source(%dma_start3A_75 : memref<1024xi32, #tpu.memory_space<hbm>>) target(%arg7 : memref<1024xi32, #tpu.memory_space<vmem>>) target_semaphore(%run_scoped3A : memref<!tpu.dma_semaphore, #tpu.memory_space<semaphore_mem>>)
      %dma_wait3A_76 = tpu.memref_slice %arg3[%mul3A_2] : memref<32768xi32, #tpu.memory_space<hbm>> -> memref<1024xi32, #tpu.memory_space<hbm>>
      %dma_wait3A_77 = tpu.memref_slice %arg3[%mul3A_2] : memref<32768xi32, #tpu.memory_space<hbm>> -> memref<1024xi32, #tpu.memory_space<hbm>>
      tpu.wait_dma2 semaphore(%run_scoped3A : memref<!tpu.dma_semaphore, #tpu.memory_space<semaphore_mem>>) src(%dma_wait3A_77 : memref<1024xi32, #tpu.memory_space<hbm>>) dst(%arg7 : memref<1024xi32, #tpu.memory_space<vmem>>)
      tpu.yield
    }) : () -> ()
    "tpu.region"() ({
      %run_scoped3A = tpu.sem_alloc : memref<!tpu.dma_semaphore, #tpu.memory_space<semaphore_mem>>
      tpu.enqueue_dma source(%arg5 : memref<16xf32, #tpu.memory_space<hbm>>) target(%arg10 : memref<16xf32, #tpu.memory_space<vmem>>) target_semaphore(%run_scoped3A : memref<!tpu.dma_semaphore, #tpu.memory_space<semaphore_mem>>)
      tpu.wait_dma2 semaphore(%run_scoped3A : memref<!tpu.dma_semaphore, #tpu.memory_space<semaphore_mem>>) src(%arg5 : memref<16xf32, #tpu.memory_space<hbm>>) dst(%arg10 : memref<16xf32, #tpu.memory_space<vmem>>)
      tpu.yield
    }) : () -> ()
    %get3A = arith.constant 0 : index
    %get3A_3 = tpu.vector_load %arg10[%get3A] {strides = array<i32>} : memref<16xf32, #tpu.memory_space<vmem>>, vector<16xf32>,
    %get3A_4 = vector.shape_cast %get3A_3 : vector<16xf32> to vector<16xf32>
    %dma_start3A = arith.constant 0 : i32
    %dma_start3A_5 = arith.constant 0 : i32
    %dma_start3A_6 = arith.constant 0 : i32
    %dma_start3A_7 = arith.constant 0 : i32
    %dma_start3A_8 = tpu.memref_slice %arg8[%dma_start3A, %dma_start3A_6, %dma_start3A_7] : memref<2x32x768xf32, #tpu.memory_space<vmem>> -> memref<1x32x768xf32, #tpu.memory_space<vmem>>
    %dma_start3A_9 = tpu.memref_squeeze %dma_start3A_8 : memref<1x32x768xf32, #tpu.memory_space<vmem>> -> memref<32x768xf32, #tpu.memory_space<vmem>>
    %dma_start3A_10 = arith.constant 0 : i32
    %dma_start3A_11 = tpu.memref_slice %arg7[%dma_start3A_10] : memref<1024xi32, #tpu.memory_space<vmem>> -> memref<32xi32, #tpu.memory_space<vmem>>
    %dma_start3A_12 = arith.constant 0 : i32
    %dma_start3A_13 = arith.constant 0 : i32
    %dma_start3A_14 = tpu.memref_slice %arg4[%dma_start3A_12, %dma_start3A_13] : memref<8192x768xf32, #tpu.memory_space<hbm>> -> memref<8192x768xf32, #tpu.memory_space<hbm>>
    %dma_start3A_15 = tpu.memref_slice %arg11[%dma_start3A_5] : memref<2x!tpu.dma_semaphore, #tpu.memory_space<semaphore_mem>> -> memref<1x!tpu.dma_semaphore, #tpu.memory_space<semaphore_mem>>
    %dma_start3A_16 = tpu.memref_squeeze %dma_start3A_15 : memref<1x!tpu.dma_semaphore, #tpu.memory_space<semaphore_mem>> -> memref<!tpu.dma_semaphore, #tpu.memory_space<semaphore_mem>>
    tpu.enqueue_indirect_dma source(%dma_start3A_14 : memref<8192x768xf32, #tpu.memory_space<hbm>>) target(%dma_start3A_9 : memref<32x768xf32, #tpu.memory_space<vmem>>) offsets(%dma_start3A_11 : memref<32xi32, #tpu.memory_space<vmem>>) semaphore(%dma_start3A_16 : memref<!tpu.dma_semaphore, #tpu.memory_space<semaphore_mem>>)
    %add3A_17 = arith.constant 0 : i32
    %add3A_18 = arith.addi %mul3A_2, %add3A_17 : i32
    %dma_start3A_19 = arith.constant 0 : i32
    %dma_start3A_20 = arith.constant 0 : i32
    %dma_start3A_21 = arith.constant 0 : i32
    %dma_start3A_22 = arith.constant 0 : i32
    %dma_start3A_23 = tpu.memref_slice %arg9[%dma_start3A_19, %dma_start3A_21, %dma_start3A_22] : memref<2x32x768xf32, #tpu.memory_space<vmem>> -> memref<1x32x768xf32, #tpu.memory_space<vmem>>
    %dma_start3A_24 = tpu.memref_squeeze %dma_start3A_23 : memref<1x32x768xf32, #tpu.memory_space<vmem>> -> memref<32x768xf32, #tpu.memory_space<vmem>>
    %dma_start3A_25 = arith.constant 0 : i32
    %dma_start3A_26 = tpu.memref_slice %arg2[%add3A_18, %dma_start3A_25] : memref<32768x768xf32, #tpu.memory_space<hbm>> -> memref<32x768xf32, #tpu.memory_space<hbm>>
    %dma_start3A_27 = tpu.memref_slice %arg12[%dma_start3A_20] : memref<2x!tpu.dma_semaphore, #tpu.memory_space<semaphore_mem>> -> memref<1x!tpu.dma_semaphore, #tpu.memory_space<semaphore_mem>>
    %dma_start3A_28 = tpu.memref_squeeze %dma_start3A_27 : memref<1x!tpu.dma_semaphore, #tpu.memory_space<semaphore_mem>> -> memref<!tpu.dma_semaphore, #tpu.memory_space<semaphore_mem>>
    %dma_start3A_29 = arith.constant 0 : i32
    %dma_start3A_30 = arith.constant 0 : i32
    %dma_start3A_31 = tpu.memref_slice %arg9[%dma_start3A_19, %dma_start3A_29, %dma_start3A_30] : memref<2x32x768xf32, #tpu.memory_space<vmem>> -> memref<1x32x768xf32, #tpu.memory_space<vmem>>
    %dma_start3A_32 = tpu.memref_squeeze %dma_start3A_31 : memref<1x32x768xf32, #tpu.memory_space<vmem>> -> memref<32x768xf32, #tpu.memory_space<vmem>>
    %dma_start3A_33 = arith.constant 0 : i32
    %dma_start3A_34 = tpu.memref_slice %arg2[%add3A_18, %dma_start3A_33] : memref<32768x768xf32, #tpu.memory_space<hbm>> -> memref<32x768xf32, #tpu.memory_space<hbm>>
    tpu.enqueue_dma source(%dma_start3A_34 : memref<32x768xf32, #tpu.memory_space<hbm>>) target(%dma_start3A_32 : memref<32x768xf32, #tpu.memory_space<vmem>>) target_semaphore(%dma_start3A_28 : memref<!tpu.dma_semaphore, #tpu.memory_space<semaphore_mem>>)
    %scan3A = arith.constant 0 : i32
    %scan3A_35 = arith.constant 32 : i32
    %scan3A_36 = arith.addi %scan3A, %scan3A_35 : i32
    %scan3A_37 = arith.constant 1 : i32
    scf.for %scan3A_74 = %scan3A to %scan3A_36 step %scan3A_37  : i32 {
      %mul3A_75 = arith.constant 1 : i32
      %mul3A_76 = arith.muli %scan3A_74, %mul3A_75 : i32
      %add3A_77 = arith.constant 0 : i32
      %add3A_78 = arith.addi %add3A_77, %mul3A_76 : i32
      %rem3A = arith.constant 2 : i32
      %rem3A_79 = arith.remsi %add3A_78, %rem3A : i32
      %sub3A = arith.constant 1 : i32
      %sub3A_80 = arith.subi %sub3A, %rem3A_79 : i32
      %add3A_81 = arith.constant 1 : i32
      %add3A_82 = arith.addi %add3A_78, %add3A_81 : i32
      %lt3A = arith.constant 32 : i32
      %lt3A_83 = arith.cmpi slt, %add3A_82, %lt3A : i32
      %convert_element_type3A = arith.extui %lt3A_83 : i1 to i32
      %cond3A = arith.constant 0 : i32
      %cond3A_84 = arith.cmpi ne, %convert_element_type3A, %cond3A : i32
      scf.if %cond3A_84 {
        %ge3A = arith.constant 1 : i32
        %ge3A_135 = arith.cmpi sge, %add3A_78, %ge3A : i32
        %convert_element_type3A_136 = arith.extui %ge3A_135 : i1 to i32
        %cond3A_137 = arith.constant 0 : i32
        %cond3A_138 = arith.cmpi ne, %convert_element_type3A_136, %cond3A_137 : i32
        scf.if %cond3A_138 {
          %dma_wait3A_170 = arith.constant 0 : i32
          %dma_wait3A_171 = arith.constant 0 : i32
          %dma_wait3A_172 = tpu.memref_slice %arg9[%sub3A_80, %dma_wait3A_170, %dma_wait3A_171] : memref<2x32x768xf32, #tpu.memory_space<vmem>> -> memref<1x32x768xf32, #tpu.memory_space<vmem>>
          %dma_wait3A_173 = tpu.memref_squeeze %dma_wait3A_172 : memref<1x32x768xf32, #tpu.memory_space<vmem>> -> memref<32x768xf32, #tpu.memory_space<vmem>>
          %dma_wait3A_174 = arith.constant 0 : i32
          %dma_wait3A_175 = arith.constant 0 : i32
          %dma_wait3A_176 = tpu.memref_slice %arg6[%dma_wait3A_174, %dma_wait3A_175] : memref<32768x768xf32, #tpu.memory_space<hbm>> -> memref<32x768xf32, #tpu.memory_space<hbm>>
          %dma_wait3A_177 = tpu.memref_slice %arg13[%sub3A_80] : memref<2x!tpu.dma_semaphore, #tpu.memory_space<semaphore_mem>> -> memref<1x!tpu.dma_semaphore, #tpu.memory_space<semaphore_mem>>
          %dma_wait3A_178 = tpu.memref_squeeze %dma_wait3A_177 : memref<1x!tpu.dma_semaphore, #tpu.memory_space<semaphore_mem>> -> memref<!tpu.dma_semaphore, #tpu.memory_space<semaphore_mem>>
          %dma_wait3A_179 = arith.constant 0 : i32
          %dma_wait3A_180 = arith.constant 0 : i32
          %dma_wait3A_181 = tpu.memref_slice %arg6[%dma_wait3A_179, %dma_wait3A_180] : memref<32768x768xf32, #tpu.memory_space<hbm>> -> memref<32x768xf32, #tpu.memory_space<hbm>>
          %dma_wait3A_182 = arith.constant 0 : i32
          %dma_wait3A_183 = arith.constant 0 : i32
          %dma_wait3A_184 = tpu.memref_slice %arg9[%sub3A_80, %dma_wait3A_182, %dma_wait3A_183] : memref<2x32x768xf32, #tpu.memory_space<vmem>> -> memref<1x32x768xf32, #tpu.memory_space<vmem>>
          %dma_wait3A_185 = tpu.memref_squeeze %dma_wait3A_184 : memref<1x32x768xf32, #tpu.memory_space<vmem>> -> memref<32x768xf32, #tpu.memory_space<vmem>>
          tpu.wait_dma2 semaphore(%dma_wait3A_178 : memref<!tpu.dma_semaphore, #tpu.memory_space<semaphore_mem>>) src(%dma_wait3A_185 : memref<32x768xf32, #tpu.memory_space<vmem>>) dst(%dma_wait3A_181 : memref<32x768xf32, #tpu.memory_space<hbm>>)
        } else {
        }
        %add3A_139 = arith.constant 1 : i32
        %add3A_140 = arith.addi %add3A_78, %add3A_139 : i32
        %mul3A_141 = arith.constant 32 : i32
        %mul3A_142 = arith.muli %add3A_140, %mul3A_141 : i32
        %dma_start3A_143 = arith.constant 0 : i32
        %dma_start3A_144 = arith.constant 0 : i32
        %dma_start3A_145 = tpu.memref_slice %arg8[%sub3A_80, %dma_start3A_143, %dma_start3A_144] : memref<2x32x768xf32, #tpu.memory_space<vmem>> -> memref<1x32x768xf32, #tpu.memory_space<vmem>>
        %dma_start3A_146 = tpu.memref_squeeze %dma_start3A_145 : memref<1x32x768xf32, #tpu.memory_space<vmem>> -> memref<32x768xf32, #tpu.memory_space<vmem>>
        %dma_start3A_147 = tpu.memref_slice %arg7[%mul3A_142] : memref<1024xi32, #tpu.memory_space<vmem>> -> memref<32xi32, #tpu.memory_space<vmem>>
        %dma_start3A_148 = arith.constant 0 : i32
        %dma_start3A_149 = arith.constant 0 : i32
        %dma_start3A_150 = tpu.memref_slice %arg4[%dma_start3A_148, %dma_start3A_149] : memref<8192x768xf32, #tpu.memory_space<hbm>> -> memref<8192x768xf32, #tpu.memory_space<hbm>>
        %dma_start3A_151 = tpu.memref_slice %arg11[%sub3A_80] : memref<2x!tpu.dma_semaphore, #tpu.memory_space<semaphore_mem>> -> memref<1x!tpu.dma_semaphore, #tpu.memory_space<semaphore_mem>>
        %dma_start3A_152 = tpu.memref_squeeze %dma_start3A_151 : memref<1x!tpu.dma_semaphore, #tpu.memory_space<semaphore_mem>> -> memref<!tpu.dma_semaphore, #tpu.memory_space<semaphore_mem>>
        tpu.enqueue_indirect_dma source(%dma_start3A_150 : memref<8192x768xf32, #tpu.memory_space<hbm>>) target(%dma_start3A_146 : memref<32x768xf32, #tpu.memory_space<vmem>>) offsets(%dma_start3A_147 : memref<32xi32, #tpu.memory_space<vmem>>) semaphore(%dma_start3A_152 : memref<!tpu.dma_semaphore, #tpu.memory_space<semaphore_mem>>)
        %mul3A_153 = arith.constant 32 : i32
        %mul3A_154 = arith.muli %add3A_140, %mul3A_153 : i32
        %add3A_155 = arith.addi %mul3A_2, %mul3A_154 : i32
        %dma_start3A_156 = arith.constant 0 : i32
        %dma_start3A_157 = arith.constant 0 : i32
        %dma_start3A_158 = tpu.memref_slice %arg9[%sub3A_80, %dma_start3A_156, %dma_start3A_157] : memref<2x32x768xf32, #tpu.memory_space<vmem>> -> memref<1x32x768xf32, #tpu.memory_space<vmem>>
        %dma_start3A_159 = tpu.memref_squeeze %dma_start3A_158 : memref<1x32x768xf32, #tpu.memory_space<vmem>> -> memref<32x768xf32, #tpu.memory_space<vmem>>
        %dma_start3A_160 = arith.constant 0 : i32
        %dma_start3A_161 = tpu.memref_slice %arg2[%add3A_155, %dma_start3A_160] : memref<32768x768xf32, #tpu.memory_space<hbm>> -> memref<32x768xf32, #tpu.memory_space<hbm>>
        %dma_start3A_162 = tpu.memref_slice %arg12[%sub3A_80] : memref<2x!tpu.dma_semaphore, #tpu.memory_space<semaphore_mem>> -> memref<1x!tpu.dma_semaphore, #tpu.memory_space<semaphore_mem>>
        %dma_start3A_163 = tpu.memref_squeeze %dma_start3A_162 : memref<1x!tpu.dma_semaphore, #tpu.memory_space<semaphore_mem>> -> memref<!tpu.dma_semaphore, #tpu.memory_space<semaphore_mem>>
        %dma_start3A_164 = arith.constant 0 : i32
        %dma_start3A_165 = arith.constant 0 : i32
        %dma_start3A_166 = tpu.memref_slice %arg9[%sub3A_80, %dma_start3A_164, %dma_start3A_165] : memref<2x32x768xf32, #tpu.memory_space<vmem>> -> memref<1x32x768xf32, #tpu.memory_space<vmem>>
        %dma_start3A_167 = tpu.memref_squeeze %dma_start3A_166 : memref<1x32x768xf32, #tpu.memory_space<vmem>> -> memref<32x768xf32, #tpu.memory_space<vmem>>
        %dma_start3A_168 = arith.constant 0 : i32
        %dma_start3A_169 = tpu.memref_slice %arg2[%add3A_155, %dma_start3A_168] : memref<32768x768xf32, #tpu.memory_space<hbm>> -> memref<32x768xf32, #tpu.memory_space<hbm>>
        tpu.enqueue_dma source(%dma_start3A_169 : memref<32x768xf32, #tpu.memory_space<hbm>>) target(%dma_start3A_167 : memref<32x768xf32, #tpu.memory_space<vmem>>) target_semaphore(%dma_start3A_163 : memref<!tpu.dma_semaphore, #tpu.memory_space<semaphore_mem>>)
      } else {
      }
      %mul3A_85 = arith.constant 32 : i32
      %mul3A_86 = arith.muli %add3A_78, %mul3A_85 : i32
      %dma_wait3A_87 = arith.constant 0 : i32
      %dma_wait3A_88 = arith.constant 0 : i32
      %dma_wait3A_89 = tpu.memref_slice %arg8[%rem3A_79, %dma_wait3A_87, %dma_wait3A_88] : memref<2x32x768xf32, #tpu.memory_space<vmem>> -> memref<1x32x768xf32, #tpu.memory_space<vmem>>
      %dma_wait3A_90 = tpu.memref_squeeze %dma_wait3A_89 : memref<1x32x768xf32, #tpu.memory_space<vmem>> -> memref<32x768xf32, #tpu.memory_space<vmem>>
      %dma_wait3A_91 = tpu.memref_slice %arg7[%mul3A_86] : memref<1024xi32, #tpu.memory_space<vmem>> -> memref<32xi32, #tpu.memory_space<vmem>>
      %dma_wait3A_92 = arith.constant 0 : i32
      %dma_wait3A_93 = arith.constant 0 : i32
      %dma_wait3A_94 = tpu.memref_slice %arg4[%dma_wait3A_92, %dma_wait3A_93] : memref<8192x768xf32, #tpu.memory_space<hbm>> -> memref<8192x768xf32, #tpu.memory_space<hbm>>
      %dma_wait3A_95 = tpu.memref_slice %arg11[%rem3A_79] : memref<2x!tpu.dma_semaphore, #tpu.memory_space<semaphore_mem>> -> memref<1x!tpu.dma_semaphore, #tpu.memory_space<semaphore_mem>>
      %dma_wait3A_96 = tpu.memref_squeeze %dma_wait3A_95 : memref<1x!tpu.dma_semaphore, #tpu.memory_space<semaphore_mem>> -> memref<!tpu.dma_semaphore, #tpu.memory_space<semaphore_mem>>
      tpu.wait_indirect_dma semaphore(%dma_wait3A_96 : memref<!tpu.dma_semaphore, #tpu.memory_space<semaphore_mem>>) src(%dma_wait3A_94 : memref<8192x768xf32, #tpu.memory_space<hbm>>) dst(%dma_wait3A_90 : memref<32x768xf32, #tpu.memory_space<vmem>>)
      %dma_wait3A_97 = arith.constant 0 : i32
      %dma_wait3A_98 = arith.constant 0 : i32
      %dma_wait3A_99 = tpu.memref_slice %arg9[%rem3A_79, %dma_wait3A_97, %dma_wait3A_98] : memref<2x32x768xf32, #tpu.memory_space<vmem>> -> memref<1x32x768xf32, #tpu.memory_space<vmem>>
      %dma_wait3A_100 = tpu.memref_squeeze %dma_wait3A_99 : memref<1x32x768xf32, #tpu.memory_space<vmem>> -> memref<32x768xf32, #tpu.memory_space<vmem>>
      %dma_wait3A_101 = arith.constant 0 : i32
      %dma_wait3A_102 = arith.constant 0 : i32
      %dma_wait3A_103 = tpu.memref_slice %arg2[%dma_wait3A_101, %dma_wait3A_102] : memref<32768x768xf32, #tpu.memory_space<hbm>> -> memref<32x768xf32, #tpu.memory_space<hbm>>
      %dma_wait3A_104 = tpu.memref_slice %arg12[%rem3A_79] : memref<2x!tpu.dma_semaphore, #tpu.memory_space<semaphore_mem>> -> memref<1x!tpu.dma_semaphore, #tpu.memory_space<semaphore_mem>>
      %dma_wait3A_105 = tpu.memref_squeeze %dma_wait3A_104 : memref<1x!tpu.dma_semaphore, #tpu.memory_space<semaphore_mem>> -> memref<!tpu.dma_semaphore, #tpu.memory_space<semaphore_mem>>
      %dma_wait3A_106 = arith.constant 0 : i32
      %dma_wait3A_107 = arith.constant 0 : i32
      %dma_wait3A_108 = tpu.memref_slice %arg9[%rem3A_79, %dma_wait3A_106, %dma_wait3A_107] : memref<2x32x768xf32, #tpu.memory_space<vmem>> -> memref<1x32x768xf32, #tpu.memory_space<vmem>>
      %dma_wait3A_109 = tpu.memref_squeeze %dma_wait3A_108 : memref<1x32x768xf32, #tpu.memory_space<vmem>> -> memref<32x768xf32, #tpu.memory_space<vmem>>
      %dma_wait3A_110 = arith.constant 0 : i32
      %dma_wait3A_111 = arith.constant 0 : i32
      %dma_wait3A_112 = tpu.memref_slice %arg2[%dma_wait3A_110, %dma_wait3A_111] : memref<32768x768xf32, #tpu.memory_space<hbm>> -> memref<32x768xf32, #tpu.memory_space<hbm>>
      tpu.wait_dma2 semaphore(%dma_wait3A_105 : memref<!tpu.dma_semaphore, #tpu.memory_space<semaphore_mem>>) src(%dma_wait3A_112 : memref<32x768xf32, #tpu.memory_space<hbm>>) dst(%dma_wait3A_109 : memref<32x768xf32, #tpu.memory_space<vmem>>)
      %scan3A_113 = arith.constant 0 : i32
      %scan3A_114 = arith.constant 32 : i32
      %scan3A_115 = arith.addi %scan3A_113, %scan3A_114 : i32
      %scan3A_116 = arith.constant 1 : i32
      scf.for %scan3A_135 = %scan3A_113 to %scan3A_115 step %scan3A_116  : i32 {
        %mul3A_136 = arith.constant 1 : i32
        %mul3A_137 = arith.muli %scan3A_135, %mul3A_136 : i32
        %add3A_138 = arith.constant 0 : i32
        %add3A_139 = arith.addi %add3A_138, %mul3A_137 : i32
        %get3A_140 = arith.index_cast %rem3A_79 : i32 to index
        %get3A_141 = arith.index_cast %add3A_139 : i32 to index
        %get3A_142 = arith.constant 0 : index
        %get3A_143 = tpu.vector_load %arg8[%get3A_140, %get3A_141, %get3A_142] {strides = array<i32>} : memref<2x32x768xf32, #tpu.memory_space<vmem>>, vector<1x1x16xf32>,
        %get3A_144 = vector.shape_cast %get3A_143 : vector<1x1x16xf32> to vector<16xf32>
        %mul3A_145 = arith.mulf %get3A_144, %get3A_4 : vector<16xf32>
        %get3A_146 = arith.index_cast %rem3A_79 : i32 to index
        %get3A_147 = arith.index_cast %add3A_139 : i32 to index
        %get3A_148 = arith.constant 0 : index
        %get3A_149 = tpu.vector_load %arg9[%get3A_146, %get3A_147, %get3A_148] {strides = array<i32>} : memref<2x32x768xf32, #tpu.memory_space<vmem>>, vector<1x1x16xf32>,
        %get3A_150 = vector.shape_cast %get3A_149 : vector<1x1x16xf32> to vector<16xf32>
        %add3A_151 = arith.addf %mul3A_145, %get3A_150 : vector<16xf32>
        %swap3A = arith.index_cast %rem3A_79 : i32 to index
        %swap3A_152 = arith.index_cast %add3A_139 : i32 to index
        %swap3A_153 = arith.constant 0 : index
        %swap3A_154 = tpu.vector_load %arg9[%swap3A, %swap3A_152, %swap3A_153] {strides = array<i32>} : memref<2x32x768xf32, #tpu.memory_space<vmem>>, vector<1x1x16xf32>,
        %swap3A_155 = vector.shape_cast %swap3A_154 : vector<1x1x16xf32> to vector<16xf32>
        %swap3A_156 = vector.shape_cast %add3A_151 : vector<16xf32> to vector<1x1x16xf32>
        tpu.vector_store %arg9[%swap3A, %swap3A_152, %swap3A_153], %swap3A_156 {strides = array<i32>} : memref<2x32x768xf32, #tpu.memory_space<vmem>>, vector<1x1x16xf32>,
        %get3A_157 = arith.index_cast %rem3A_79 : i32 to index
        %get3A_158 = arith.index_cast %add3A_139 : i32 to index
        %get3A_159 = arith.constant 16 : index
        %get3A_160 = tpu.vector_load %arg8[%get3A_157, %get3A_158, %get3A_159] {strides = array<i32>} : memref<2x32x768xf32, #tpu.memory_space<vmem>>, vector<1x1x16xf32>,
        %get3A_161 = vector.shape_cast %get3A_160 : vector<1x1x16xf32> to vector<16xf32>
        %mul3A_162 = arith.mulf %get3A_161, %get3A_4 : vector<16xf32>
        %get3A_163 = arith.index_cast %rem3A_79 : i32 to index
        %get3A_164 = arith.index_cast %add3A_139 : i32 to index
        %get3A_165 = arith.constant 16 : index
        %get3A_166 = tpu.vector_load %arg9[%get3A_163, %get3A_164, %get3A_165] {strides = array<i32>} : memref<2x32x768xf32, #tpu.memory_space<vmem>>, vector<1x1x16xf32>,
        %get3A_167 = vector.shape_cast %get3A_166 : vector<1x1x16xf32> to vector<16xf32>
        %add3A_168 = arith.addf %mul3A_162, %get3A_167 : vector<16xf32>
        %swap3A_169 = arith.index_cast %rem3A_79 : i32 to index
        %swap3A_170 = arith.index_cast %add3A_139 : i32 to index
        %swap3A_171 = arith.constant 16 : index
        %swap3A_172 = tpu.vector_load %arg9[%swap3A_169, %swap3A_170, %swap3A_171] {strides = array<i32>} : memref<2x32x768xf32, #tpu.memory_space<vmem>>, vector<1x1x16xf32>,
        %swap3A_173 = vector.shape_cast %swap3A_172 : vector<1x1x16xf32> to vector<16xf32>
        %swap3A_174 = vector.shape_cast %add3A_168 : vector<16xf32> to vector<1x1x16xf32>
        tpu.vector_store %arg9[%swap3A_169, %swap3A_170, %swap3A_171], %swap3A_174 {strides = array<i32>} : memref<2x32x768xf32, #tpu.memory_space<vmem>>, vector<1x1x16xf32>,
        %get3A_175 = arith.index_cast %rem3A_79 : i32 to index
        %get3A_176 = arith.index_cast %add3A_139 : i32 to index
        %get3A_177 = arith.constant 32 : index
        %get3A_178 = tpu.vector_load %arg8[%get3A_175, %get3A_176, %get3A_177] {strides = array<i32>} : memref<2x32x768xf32, #tpu.memory_space<vmem>>, vector<1x1x16xf32>,
        %get3A_179 = vector.shape_cast %get3A_178 : vector<1x1x16xf32> to vector<16xf32>
        %mul3A_180 = arith.mulf %get3A_179, %get3A_4 : vector<16xf32>
        %get3A_181 = arith.index_cast %rem3A_79 : i32 to index
        %get3A_182 = arith.index_cast %add3A_139 : i32 to index
        %get3A_183 = arith.constant 32 : index
        %get3A_184 = tpu.vector_load %arg9[%get3A_181, %get3A_182, %get3A_183] {strides = array<i32>} : memref<2x32x768xf32, #tpu.memory_space<vmem>>, vector<1x1x16xf32>,
        %get3A_185 = vector.shape_cast %get3A_184 : vector<1x1x16xf32> to vector<16xf32>
        %add3A_186 = arith.addf %mul3A_180, %get3A_185 : vector<16xf32>
        %swap3A_187 = arith.index_cast %rem3A_79 : i32 to index
        %swap3A_188 = arith.index_cast %add3A_139 : i32 to index
        %swap3A_189 = arith.constant 32 : index
        %swap3A_190 = tpu.vector_load %arg9[%swap3A_187, %swap3A_188, %swap3A_189] {strides = array<i32>} : memref<2x32x768xf32, #tpu.memory_space<vmem>>, vector<1x1x16xf32>,
        %swap3A_191 = vector.shape_cast %swap3A_190 : vector<1x1x16xf32> to vector<16xf32>
        %swap3A_192 = vector.shape_cast %add3A_186 : vector<16xf32> to vector<1x1x16xf32>
        tpu.vector_store %arg9[%swap3A_187, %swap3A_188, %swap3A_189], %swap3A_192 {strides = array<i32>} : memref<2x32x768xf32, #tpu.memory_space<vmem>>, vector<1x1x16xf32>,
        %get3A_193 = arith.index_cast %rem3A_79 : i32 to index
        %get3A_194 = arith.index_cast %add3A_139 : i32 to index
        %get3A_195 = arith.constant 48 : index
        %get3A_196 = tpu.vector_load %arg8[%get3A_193, %get3A_194, %get3A_195] {strides = array<i32>} : memref<2x32x768xf32, #tpu.memory_space<vmem>>, vector<1x1x16xf32>,
        %get3A_197 = vector.shape_cast %get3A_196 : vector<1x1x16xf32> to vector<16xf32>
        %mul3A_198 = arith.mulf %get3A_197, %get3A_4 : vector<16xf32>
        %get3A_199 = arith.index_cast %rem3A_79 : i32 to index
        %get3A_200 = arith.index_cast %add3A_139 : i32 to index
        %get3A_201 = arith.constant 48 : index
        %get3A_202 = tpu.vector_load %arg9[%get3A_199, %get3A_200, %get3A_201] {strides = array<i32>} : memref<2x32x768xf32, #tpu.memory_space<vmem>>, vector<1x1x16xf32>,
        %get3A_203 = vector.shape_cast %get3A_202 : vector<1x1x16xf32> to vector<16xf32>
        %add3A_204 = arith.addf %mul3A_198, %get3A_203 : vector<16xf32>
        %swap3A_205 = arith.index_cast %rem3A_79 : i32 to index
        %swap3A_206 = arith.index_cast %add3A_139 : i32 to index
        %swap3A_207 = arith.constant 48 : index
        %swap3A_208 = tpu.vector_load %arg9[%swap3A_205, %swap3A_206, %swap3A_207] {strides = array<i32>} : memref<2x32x768xf32, #tpu.memory_space<vmem>>, vector<1x1x16xf32>,
        %swap3A_209 = vector.shape_cast %swap3A_208 : vector<1x1x16xf32> to vector<16xf32>
        %swap3A_210 = vector.shape_cast %add3A_204 : vector<16xf32> to vector<1x1x16xf32>
        tpu.vector_store %arg9[%swap3A_205, %swap3A_206, %swap3A_207], %swap3A_210 {strides = array<i32>} : memref<2x32x768xf32, #tpu.memory_space<vmem>>, vector<1x1x16xf32>,
        %get3A_211 = arith.index_cast %rem3A_79 : i32 to index
        %get3A_212 = arith.index_cast %add3A_139 : i32 to index
        %get3A_213 = arith.constant 64 : index
        %get3A_214 = tpu.vector_load %arg8[%get3A_211, %get3A_212, %get3A_213] {strides = array<i32>} : memref<2x32x768xf32, #tpu.memory_space<vmem>>, vector<1x1x16xf32>,
        %get3A_215 = vector.shape_cast %get3A_214 : vector<1x1x16xf32> to vector<16xf32>
        %mul3A_216 = arith.mulf %get3A_215, %get3A_4 : vector<16xf32>
        %get3A_217 = arith.index_cast %rem3A_79 : i32 to index
        %get3A_218 = arith.index_cast %add3A_139 : i32 to index
        %get3A_219 = arith.constant 64 : index
        %get3A_220 = tpu.vector_load %arg9[%get3A_217, %get3A_218, %get3A_219] {strides = array<i32>} : memref<2x32x768xf32, #tpu.memory_space<vmem>>, vector<1x1x16xf32>,
        %get3A_221 = vector.shape_cast %get3A_220 : vector<1x1x16xf32> to vector<16xf32>
        %add3A_222 = arith.addf %mul3A_216, %get3A_221 : vector<16xf32>
        %swap3A_223 = arith.index_cast %rem3A_79 : i32 to index
        %swap3A_224 = arith.index_cast %add3A_139 : i32 to index
        %swap3A_225 = arith.constant 64 : index
        %swap3A_226 = tpu.vector_load %arg9[%swap3A_223, %swap3A_224, %swap3A_225] {strides = array<i32>} : memref<2x32x768xf32, #tpu.memory_space<vmem>>, vector<1x1x16xf32>,
        %swap3A_227 = vector.shape_cast %swap3A_226 : vector<1x1x16xf32> to vector<16xf32>
        %swap3A_228 = vector.shape_cast %add3A_222 : vector<16xf32> to vector<1x1x16xf32>
        tpu.vector_store %arg9[%swap3A_223, %swap3A_224, %swap3A_225], %swap3A_228 {strides = array<i32>} : memref<2x32x768xf32, #tpu.memory_space<vmem>>, vector<1x1x16xf32>,
        %get3A_229 = arith.index_cast %rem3A_79 : i32 to index
        %get3A_230 = arith.index_cast %add3A_139 : i32 to index
        %get3A_231 = arith.constant 80 : index
        %get3A_232 = tpu.vector_load %arg8[%get3A_229, %get3A_230, %get3A_231] {strides = array<i32>} : memref<2x32x768xf32, #tpu.memory_space<vmem>>, vector<1x1x16xf32>,
        %get3A_233 = vector.shape_cast %get3A_232 : vector<1x1x16xf32> to vector<16xf32>
        %mul3A_234 = arith.mulf %get3A_233, %get3A_4 : vector<16xf32>
        %get3A_235 = arith.index_cast %rem3A_79 : i32 to index
        %get3A_236 = arith.index_cast %add3A_139 : i32 to index
        %get3A_237 = arith.constant 80 : index
        %get3A_238 = tpu.vector_load %arg9[%get3A_235, %get3A_236, %get3A_237] {strides = array<i32>} : memref<2x32x768xf32, #tpu.memory_space<vmem>>, vector<1x1x16xf32>,
        %get3A_239 = vector.shape_cast %get3A_238 : vector<1x1x16xf32> to vector<16xf32>
        %add3A_240 = arith.addf %mul3A_234, %get3A_239 : vector<16xf32>
        %swap3A_241 = arith.index_cast %rem3A_79 : i32 to index
        %swap3A_242 = arith.index_cast %add3A_139 : i32 to index
        %swap3A_243 = arith.constant 80 : index
        %swap3A_244 = tpu.vector_load %arg9[%swap3A_241, %swap3A_242, %swap3A_243] {strides = array<i32>} : memref<2x32x768xf32, #tpu.memory_space<vmem>>, vector<1x1x16xf32>,
        %swap3A_245 = vector.shape_cast %swap3A_244 : vector<1x1x16xf32> to vector<16xf32>
        %swap3A_246 = vector.shape_cast %add3A_240 : vector<16xf32> to vector<1x1x16xf32>
        tpu.vector_store %arg9[%swap3A_241, %swap3A_242, %swap3A_243], %swap3A_246 {strides = array<i32>} : memref<2x32x768xf32, #tpu.memory_space<vmem>>, vector<1x1x16xf32>,
        %get3A_247 = arith.index_cast %rem3A_79 : i32 to index
        %get3A_248 = arith.index_cast %add3A_139 : i32 to index
        %get3A_249 = arith.constant 96 : index
        %get3A_250 = tpu.vector_load %arg8[%get3A_247, %get3A_248, %get3A_249] {strides = array<i32>} : memref<2x32x768xf32, #tpu.memory_space<vmem>>, vector<1x1x16xf32>,
        %get3A_251 = vector.shape_cast %get3A_250 : vector<1x1x16xf32> to vector<16xf32>
        %mul3A_252 = arith.mulf %get3A_251, %get3A_4 : vector<16xf32>
        %get3A_253 = arith.index_cast %rem3A_79 : i32 to index
        %get3A_254 = arith.index_cast %add3A_139 : i32 to index
        %get3A_255 = arith.constant 96 : index
        %get3A_256 = tpu.vector_load %arg9[%get3A_253, %get3A_254, %get3A_255] {strides = array<i32>} : memref<2x32x768xf32, #tpu.memory_space<vmem>>, vector<1x1x16xf32>,
        %get3A_257 = vector.shape_cast %get3A_256 : vector<1x1x16xf32> to vector<16xf32>
        %add3A_258 = arith.addf %mul3A_252, %get3A_257 : vector<16xf32>
        %swap3A_259 = arith.index_cast %rem3A_79 : i32 to index
        %swap3A_260 = arith.index_cast %add3A_139 : i32 to index
        %swap3A_261 = arith.constant 96 : index
        %swap3A_262 = tpu.vector_load %arg9[%swap3A_259, %swap3A_260, %swap3A_261] {strides = array<i32>} : memref<2x32x768xf32, #tpu.memory_space<vmem>>, vector<1x1x16xf32>,
        %swap3A_263 = vector.shape_cast %swap3A_262 : vector<1x1x16xf32> to vector<16xf32>
        %swap3A_264 = vector.shape_cast %add3A_258 : vector<16xf32> to vector<1x1x16xf32>
        tpu.vector_store %arg9[%swap3A_259, %swap3A_260, %swap3A_261], %swap3A_264 {strides = array<i32>} : memref<2x32x768xf32, #tpu.memory_space<vmem>>, vector<1x1x16xf32>,
        %get3A_265 = arith.index_cast %rem3A_79 : i32 to index
        %get3A_266 = arith.index_cast %add3A_139 : i32 to index
        %get3A_267 = arith.constant 112 : index
        %get3A_268 = tpu.vector_load %arg8[%get3A_265, %get3A_266, %get3A_267] {strides = array<i32>} : memref<2x32x768xf32, #tpu.memory_space<vmem>>, vector<1x1x16xf32>,
        %get3A_269 = vector.shape_cast %get3A_268 : vector<1x1x16xf32> to vector<16xf32>
        %mul3A_270 = arith.mulf %get3A_269, %get3A_4 : vector<16xf32>
        %get3A_271 = arith.index_cast %rem3A_79 : i32 to index
        %get3A_272 = arith.index_cast %add3A_139 : i32 to index
        %get3A_273 = arith.constant 112 : index
        %get3A_274 = tpu.vector_load %arg9[%get3A_271, %get3A_272, %get3A_273] {strides = array<i32>} : memref<2x32x768xf32, #tpu.memory_space<vmem>>, vector<1x1x16xf32>,
        %get3A_275 = vector.shape_cast %get3A_274 : vector<1x1x16xf32> to vector<16xf32>
        %add3A_276 = arith.addf %mul3A_270, %get3A_275 : vector<16xf32>
        %swap3A_277 = arith.index_cast %rem3A_79 : i32 to index
        %swap3A_278 = arith.index_cast %add3A_139 : i32 to index
        %swap3A_279 = arith.constant 112 : index
        %swap3A_280 = tpu.vector_load %arg9[%swap3A_277, %swap3A_278, %swap3A_279] {strides = array<i32>} : memref<2x32x768xf32, #tpu.memory_space<vmem>>, vector<1x1x16xf32>,
        %swap3A_281 = vector.shape_cast %swap3A_280 : vector<1x1x16xf32> to vector<16xf32>
        %swap3A_282 = vector.shape_cast %add3A_276 : vector<16xf32> to vector<1x1x16xf32>
        tpu.vector_store %arg9[%swap3A_277, %swap3A_278, %swap3A_279], %swap3A_282 {strides = array<i32>} : memref<2x32x768xf32, #tpu.memory_space<vmem>>, vector<1x1x16xf32>,
        %get3A_283 = arith.index_cast %rem3A_79 : i32 to index
        %get3A_284 = arith.index_cast %add3A_139 : i32 to index
        %get3A_285 = arith.constant 128 : index
        %get3A_286 = tpu.vector_load %arg8[%get3A_283, %get3A_284, %get3A_285] {strides = array<i32>} : memref<2x32x768xf32, #tpu.memory_space<vmem>>, vector<1x1x16xf32>,
        %get3A_287 = vector.shape_cast %get3A_286 : vector<1x1x16xf32> to vector<16xf32>
        %mul3A_288 = arith.mulf %get3A_287, %get3A_4 : vector<16xf32>
        %get3A_289 = arith.index_cast %rem3A_79 : i32 to index
        %get3A_290 = arith.index_cast %add3A_139 : i32 to index
        %get3A_291 = arith.constant 128 : index
        %get3A_292 = tpu.vector_load %arg9[%get3A_289, %get3A_290, %get3A_291] {strides = array<i32>} : memref<2x32x768xf32, #tpu.memory_space<vmem>>, vector<1x1x16xf32>,
        %get3A_293 = vector.shape_cast %get3A_292 : vector<1x1x16xf32> to vector<16xf32>
        %add3A_294 = arith.addf %mul3A_288, %get3A_293 : vector<16xf32>
        %swap3A_295 = arith.index_cast %rem3A_79 : i32 to index
        %swap3A_296 = arith.index_cast %add3A_139 : i32 to index
        %swap3A_297 = arith.constant 128 : index
        %swap3A_298 = tpu.vector_load %arg9[%swap3A_295, %swap3A_296, %swap3A_297] {strides = array<i32>} : memref<2x32x768xf32, #tpu.memory_space<vmem>>, vector<1x1x16xf32>,
        %swap3A_299 = vector.shape_cast %swap3A_298 : vector<1x1x16xf32> to vector<16xf32>
        %swap3A_300 = vector.shape_cast %add3A_294 : vector<16xf32> to vector<1x1x16xf32>
        tpu.vector_store %arg9[%swap3A_295, %swap3A_296, %swap3A_297], %swap3A_300 {strides = array<i32>} : memref<2x32x768xf32, #tpu.memory_space<vmem>>, vector<1x1x16xf32>,
        %get3A_301 = arith.index_cast %rem3A_79 : i32 to index
        %get3A_302 = arith.index_cast %add3A_139 : i32 to index
        %get3A_303 = arith.constant 144 : index
        %get3A_304 = tpu.vector_load %arg8[%get3A_301, %get3A_302, %get3A_303] {strides = array<i32>} : memref<2x32x768xf32, #tpu.memory_space<vmem>>, vector<1x1x16xf32>,
        %get3A_305 = vector.shape_cast %get3A_304 : vector<1x1x16xf32> to vector<16xf32>
        %mul3A_306 = arith.mulf %get3A_305, %get3A_4 : vector<16xf32>
        %get3A_307 = arith.index_cast %rem3A_79 : i32 to index
        %get3A_308 = arith.index_cast %add3A_139 : i32 to index
        %get3A_309 = arith.constant 144 : index
        %get3A_310 = tpu.vector_load %arg9[%get3A_307, %get3A_308, %get3A_309] {strides = array<i32>} : memref<2x32x768xf32, #tpu.memory_space<vmem>>, vector<1x1x16xf32>,
        %get3A_311 = vector.shape_cast %get3A_310 : vector<1x1x16xf32> to vector<16xf32>
        %add3A_312 = arith.addf %mul3A_306, %get3A_311 : vector<16xf32>
        %swap3A_313 = arith.index_cast %rem3A_79 : i32 to index
        %swap3A_314 = arith.index_cast %add3A_139 : i32 to index
        %swap3A_315 = arith.constant 144 : index
        %swap3A_316 = tpu.vector_load %arg9[%swap3A_313, %swap3A_314, %swap3A_315] {strides = array<i32>} : memref<2x32x768xf32, #tpu.memory_space<vmem>>, vector<1x1x16xf32>,
        %swap3A_317 = vector.shape_cast %swap3A_316 : vector<1x1x16xf32> to vector<16xf32>
        %swap3A_318 = vector.shape_cast %add3A_312 : vector<16xf32> to vector<1x1x16xf32>
        tpu.vector_store %arg9[%swap3A_313, %swap3A_314, %swap3A_315], %swap3A_318 {strides = array<i32>} : memref<2x32x768xf32, #tpu.memory_space<vmem>>, vector<1x1x16xf32>,
        %get3A_319 = arith.index_cast %rem3A_79 : i32 to index
        %get3A_320 = arith.index_cast %add3A_139 : i32 to index
        %get3A_321 = arith.constant 160 : index
        %get3A_322 = tpu.vector_load %arg8[%get3A_319, %get3A_320, %get3A_321] {strides = array<i32>} : memref<2x32x768xf32, #tpu.memory_space<vmem>>, vector<1x1x16xf32>,
        %get3A_323 = vector.shape_cast %get3A_322 : vector<1x1x16xf32> to vector<16xf32>
        %mul3A_324 = arith.mulf %get3A_323, %get3A_4 : vector<16xf32>
        %get3A_325 = arith.index_cast %rem3A_79 : i32 to index
        %get3A_326 = arith.index_cast %add3A_139 : i32 to index
        %get3A_327 = arith.constant 160 : index
        %get3A_328 = tpu.vector_load %arg9[%get3A_325, %get3A_326, %get3A_327] {strides = array<i32>} : memref<2x32x768xf32, #tpu.memory_space<vmem>>, vector<1x1x16xf32>,
        %get3A_329 = vector.shape_cast %get3A_328 : vector<1x1x16xf32> to vector<16xf32>
        %add3A_330 = arith.addf %mul3A_324, %get3A_329 : vector<16xf32>
        %swap3A_331 = arith.index_cast %rem3A_79 : i32 to index
        %swap3A_332 = arith.index_cast %add3A_139 : i32 to index
        %swap3A_333 = arith.constant 160 : index
        %swap3A_334 = tpu.vector_load %arg9[%swap3A_331, %swap3A_332, %swap3A_333] {strides = array<i32>} : memref<2x32x768xf32, #tpu.memory_space<vmem>>, vector<1x1x16xf32>,
        %swap3A_335 = vector.shape_cast %swap3A_334 : vector<1x1x16xf32> to vector<16xf32>
        %swap3A_336 = vector.shape_cast %add3A_330 : vector<16xf32> to vector<1x1x16xf32>
        tpu.vector_store %arg9[%swap3A_331, %swap3A_332, %swap3A_333], %swap3A_336 {strides = array<i32>} : memref<2x32x768xf32, #tpu.memory_space<vmem>>, vector<1x1x16xf32>,
        %get3A_337 = arith.index_cast %rem3A_79 : i32 to index
        %get3A_338 = arith.index_cast %add3A_139 : i32 to index
        %get3A_339 = arith.constant 176 : index
        %get3A_340 = tpu.vector_load %arg8[%get3A_337, %get3A_338, %get3A_339] {strides = array<i32>} : memref<2x32x768xf32, #tpu.memory_space<vmem>>, vector<1x1x16xf32>,
        %get3A_341 = vector.shape_cast %get3A_340 : vector<1x1x16xf32> to vector<16xf32>
        %mul3A_342 = arith.mulf %get3A_341, %get3A_4 : vector<16xf32>
        %get3A_343 = arith.index_cast %rem3A_79 : i32 to index
        %get3A_344 = arith.index_cast %add3A_139 : i32 to index
        %get3A_345 = arith.constant 176 : index
        %get3A_346 = tpu.vector_load %arg9[%get3A_343, %get3A_344, %get3A_345] {strides = array<i32>} : memref<2x32x768xf32, #tpu.memory_space<vmem>>, vector<1x1x16xf32>,
        %get3A_347 = vector.shape_cast %get3A_346 : vector<1x1x16xf32> to vector<16xf32>
        %add3A_348 = arith.addf %mul3A_342, %get3A_347 : vector<16xf32>
        %swap3A_349 = arith.index_cast %rem3A_79 : i32 to index
        %swap3A_350 = arith.index_cast %add3A_139 : i32 to index
        %swap3A_351 = arith.constant 176 : index
        %swap3A_352 = tpu.vector_load %arg9[%swap3A_349, %swap3A_350, %swap3A_351] {strides = array<i32>} : memref<2x32x768xf32, #tpu.memory_space<vmem>>, vector<1x1x16xf32>,
        %swap3A_353 = vector.shape_cast %swap3A_352 : vector<1x1x16xf32> to vector<16xf32>
        %swap3A_354 = vector.shape_cast %add3A_348 : vector<16xf32> to vector<1x1x16xf32>
        tpu.vector_store %arg9[%swap3A_349, %swap3A_350, %swap3A_351], %swap3A_354 {strides = array<i32>} : memref<2x32x768xf32, #tpu.memory_space<vmem>>, vector<1x1x16xf32>,
        %get3A_355 = arith.index_cast %rem3A_79 : i32 to index
        %get3A_356 = arith.index_cast %add3A_139 : i32 to index
        %get3A_357 = arith.constant 192 : index
        %get3A_358 = tpu.vector_load %arg8[%get3A_355, %get3A_356, %get3A_357] {strides = array<i32>} : memref<2x32x768xf32, #tpu.memory_space<vmem>>, vector<1x1x16xf32>,
        %get3A_359 = vector.shape_cast %get3A_358 : vector<1x1x16xf32> to vector<16xf32>
        %mul3A_360 = arith.mulf %get3A_359, %get3A_4 : vector<16xf32>
        %get3A_361 = arith.index_cast %rem3A_79 : i32 to index
        %get3A_362 = arith.index_cast %add3A_139 : i32 to index
        %get3A_363 = arith.constant 192 : index
        %get3A_364 = tpu.vector_load %arg9[%get3A_361, %get3A_362, %get3A_363] {strides = array<i32>} : memref<2x32x768xf32, #tpu.memory_space<vmem>>, vector<1x1x16xf32>,
        %get3A_365 = vector.shape_cast %get3A_364 : vector<1x1x16xf32> to vector<16xf32>
        %add3A_366 = arith.addf %mul3A_360, %get3A_365 : vector<16xf32>
        %swap3A_367 = arith.index_cast %rem3A_79 : i32 to index
        %swap3A_368 = arith.index_cast %add3A_139 : i32 to index
        %swap3A_369 = arith.constant 192 : index
        %swap3A_370 = tpu.vector_load %arg9[%swap3A_367, %swap3A_368, %swap3A_369] {strides = array<i32>} : memref<2x32x768xf32, #tpu.memory_space<vmem>>, vector<1x1x16xf32>,
        %swap3A_371 = vector.shape_cast %swap3A_370 : vector<1x1x16xf32> to vector<16xf32>
        %swap3A_372 = vector.shape_cast %add3A_366 : vector<16xf32> to vector<1x1x16xf32>
        tpu.vector_store %arg9[%swap3A_367, %swap3A_368, %swap3A_369], %swap3A_372 {strides = array<i32>} : memref<2x32x768xf32, #tpu.memory_space<vmem>>, vector<1x1x16xf32>,
        %get3A_373 = arith.index_cast %rem3A_79 : i32 to index
        %get3A_374 = arith.index_cast %add3A_139 : i32 to index
        %get3A_375 = arith.constant 208 : index
        %get3A_376 = tpu.vector_load %arg8[%get3A_373, %get3A_374, %get3A_375] {strides = array<i32>} : memref<2x32x768xf32, #tpu.memory_space<vmem>>, vector<1x1x16xf32>,
        %get3A_377 = vector.shape_cast %get3A_376 : vector<1x1x16xf32> to vector<16xf32>
        %mul3A_378 = arith.mulf %get3A_377, %get3A_4 : vector<16xf32>
        %get3A_379 = arith.index_cast %rem3A_79 : i32 to index
        %get3A_380 = arith.index_cast %add3A_139 : i32 to index
        %get3A_381 = arith.constant 208 : index
        %get3A_382 = tpu.vector_load %arg9[%get3A_379, %get3A_380, %get3A_381] {strides = array<i32>} : memref<2x32x768xf32, #tpu.memory_space<vmem>>, vector<1x1x16xf32>,
        %get3A_383 = vector.shape_cast %get3A_382 : vector<1x1x16xf32> to vector<16xf32>
        %add3A_384 = arith.addf %mul3A_378, %get3A_383 : vector<16xf32>
        %swap3A_385 = arith.index_cast %rem3A_79 : i32 to index
        %swap3A_386 = arith.index_cast %add3A_139 : i32 to index
        %swap3A_387 = arith.constant 208 : index
        %swap3A_388 = tpu.vector_load %arg9[%swap3A_385, %swap3A_386, %swap3A_387] {strides = array<i32>} : memref<2x32x768xf32, #tpu.memory_space<vmem>>, vector<1x1x16xf32>,
        %swap3A_389 = vector.shape_cast %swap3A_388 : vector<1x1x16xf32> to vector<16xf32>
        %swap3A_390 = vector.shape_cast %add3A_384 : vector<16xf32> to vector<1x1x16xf32>
        tpu.vector_store %arg9[%swap3A_385, %swap3A_386, %swap3A_387], %swap3A_390 {strides = array<i32>} : memref<2x32x768xf32, #tpu.memory_space<vmem>>, vector<1x1x16xf32>,
        %get3A_391 = arith.index_cast %rem3A_79 : i32 to index
        %get3A_392 = arith.index_cast %add3A_139 : i32 to index
        %get3A_393 = arith.constant 224 : index
        %get3A_394 = tpu.vector_load %arg8[%get3A_391, %get3A_392, %get3A_393] {strides = array<i32>} : memref<2x32x768xf32, #tpu.memory_space<vmem>>, vector<1x1x16xf32>,
        %get3A_395 = vector.shape_cast %get3A_394 : vector<1x1x16xf32> to vector<16xf32>
        %mul3A_396 = arith.mulf %get3A_395, %get3A_4 : vector<16xf32>
        %get3A_397 = arith.index_cast %rem3A_79 : i32 to index
        %get3A_398 = arith.index_cast %add3A_139 : i32 to index
        %get3A_399 = arith.constant 224 : index
        %get3A_400 = tpu.vector_load %arg9[%get3A_397, %get3A_398, %get3A_399] {strides = array<i32>} : memref<2x32x768xf32, #tpu.memory_space<vmem>>, vector<1x1x16xf32>,
        %get3A_401 = vector.shape_cast %get3A_400 : vector<1x1x16xf32> to vector<16xf32>
        %add3A_402 = arith.addf %mul3A_396, %get3A_401 : vector<16xf32>
        %swap3A_403 = arith.index_cast %rem3A_79 : i32 to index
        %swap3A_404 = arith.index_cast %add3A_139 : i32 to index
        %swap3A_405 = arith.constant 224 : index
        %swap3A_406 = tpu.vector_load %arg9[%swap3A_403, %swap3A_404, %swap3A_405] {strides = array<i32>} : memref<2x32x768xf32, #tpu.memory_space<vmem>>, vector<1x1x16xf32>,
        %swap3A_407 = vector.shape_cast %swap3A_406 : vector<1x1x16xf32> to vector<16xf32>
        %swap3A_408 = vector.shape_cast %add3A_402 : vector<16xf32> to vector<1x1x16xf32>
        tpu.vector_store %arg9[%swap3A_403, %swap3A_404, %swap3A_405], %swap3A_408 {strides = array<i32>} : memref<2x32x768xf32, #tpu.memory_space<vmem>>, vector<1x1x16xf32>,
        %get3A_409 = arith.index_cast %rem3A_79 : i32 to index
        %get3A_410 = arith.index_cast %add3A_139 : i32 to index
        %get3A_411 = arith.constant 240 : index
        %get3A_412 = tpu.vector_load %arg8[%get3A_409, %get3A_410, %get3A_411] {strides = array<i32>} : memref<2x32x768xf32, #tpu.memory_space<vmem>>, vector<1x1x16xf32>,
        %get3A_413 = vector.shape_cast %get3A_412 : vector<1x1x16xf32> to vector<16xf32>
        %mul3A_414 = arith.mulf %get3A_413, %get3A_4 : vector<16xf32>
        %get3A_415 = arith.index_cast %rem3A_79 : i32 to index
        %get3A_416 = arith.index_cast %add3A_139 : i32 to index
        %get3A_417 = arith.constant 240 : index
        %get3A_418 = tpu.vector_load %arg9[%get3A_415, %get3A_416, %get3A_417] {strides = array<i32>} : memref<2x32x768xf32, #tpu.memory_space<vmem>>, vector<1x1x16xf32>,
        %get3A_419 = vector.shape_cast %get3A_418 : vector<1x1x16xf32> to vector<16xf32>
        %add3A_420 = arith.addf %mul3A_414, %get3A_419 : vector<16xf32>
        %swap3A_421 = arith.index_cast %rem3A_79 : i32 to index
        %swap3A_422 = arith.index_cast %add3A_139 : i32 to index
        %swap3A_423 = arith.constant 240 : index
        %swap3A_424 = tpu.vector_load %arg9[%swap3A_421, %swap3A_422, %swap3A_423] {strides = array<i32>} : memref<2x32x768xf32, #tpu.memory_space<vmem>>, vector<1x1x16xf32>,
        %swap3A_425 = vector.shape_cast %swap3A_424 : vector<1x1x16xf32> to vector<16xf32>
        %swap3A_426 = vector.shape_cast %add3A_420 : vector<16xf32> to vector<1x1x16xf32>
        tpu.vector_store %arg9[%swap3A_421, %swap3A_422, %swap3A_423], %swap3A_426 {strides = array<i32>} : memref<2x32x768xf32, #tpu.memory_space<vmem>>, vector<1x1x16xf32>,
        %get3A_427 = arith.index_cast %rem3A_79 : i32 to index
        %get3A_428 = arith.index_cast %add3A_139 : i32 to index
        %get3A_429 = arith.constant 256 : index
        %get3A_430 = tpu.vector_load %arg8[%get3A_427, %get3A_428, %get3A_429] {strides = array<i32>} : memref<2x32x768xf32, #tpu.memory_space<vmem>>, vector<1x1x16xf32>,
        %get3A_431 = vector.shape_cast %get3A_430 : vector<1x1x16xf32> to vector<16xf32>
        %mul3A_432 = arith.mulf %get3A_431, %get3A_4 : vector<16xf32>
        %get3A_433 = arith.index_cast %rem3A_79 : i32 to index
        %get3A_434 = arith.index_cast %add3A_139 : i32 to index
        %get3A_435 = arith.constant 256 : index
        %get3A_436 = tpu.vector_load %arg9[%get3A_433, %get3A_434, %get3A_435] {strides = array<i32>} : memref<2x32x768xf32, #tpu.memory_space<vmem>>, vector<1x1x16xf32>,
        %get3A_437 = vector.shape_cast %get3A_436 : vector<1x1x16xf32> to vector<16xf32>
        %add3A_438 = arith.addf %mul3A_432, %get3A_437 : vector<16xf32>
        %swap3A_439 = arith.index_cast %rem3A_79 : i32 to index
        %swap3A_440 = arith.index_cast %add3A_139 : i32 to index
        %swap3A_441 = arith.constant 256 : index
        %swap3A_442 = tpu.vector_load %arg9[%swap3A_439, %swap3A_440, %swap3A_441] {strides = array<i32>} : memref<2x32x768xf32, #tpu.memory_space<vmem>>, vector<1x1x16xf32>,
        %swap3A_443 = vector.shape_cast %swap3A_442 : vector<1x1x16xf32> to vector<16xf32>
        %swap3A_444 = vector.shape_cast %add3A_438 : vector<16xf32> to vector<1x1x16xf32>
        tpu.vector_store %arg9[%swap3A_439, %swap3A_440, %swap3A_441], %swap3A_444 {strides = array<i32>} : memref<2x32x768xf32, #tpu.memory_space<vmem>>, vector<1x1x16xf32>,
        %get3A_445 = arith.index_cast %rem3A_79 : i32 to index
        %get3A_446 = arith.index_cast %add3A_139 : i32 to index
        %get3A_447 = arith.constant 272 : index
        %get3A_448 = tpu.vector_load %arg8[%get3A_445, %get3A_446, %get3A_447] {strides = array<i32>} : memref<2x32x768xf32, #tpu.memory_space<vmem>>, vector<1x1x16xf32>,
        %get3A_449 = vector.shape_cast %get3A_448 : vector<1x1x16xf32> to vector<16xf32>
        %mul3A_450 = arith.mulf %get3A_449, %get3A_4 : vector<16xf32>
        %get3A_451 = arith.index_cast %rem3A_79 : i32 to index
        %get3A_452 = arith.index_cast %add3A_139 : i32 to index
        %get3A_453 = arith.constant 272 : index
        %get3A_454 = tpu.vector_load %arg9[%get3A_451, %get3A_452, %get3A_453] {strides = array<i32>} : memref<2x32x768xf32, #tpu.memory_space<vmem>>, vector<1x1x16xf32>,
        %get3A_455 = vector.shape_cast %get3A_454 : vector<1x1x16xf32> to vector<16xf32>
        %add3A_456 = arith.addf %mul3A_450, %get3A_455 : vector<16xf32>
        %swap3A_457 = arith.index_cast %rem3A_79 : i32 to index
        %swap3A_458 = arith.index_cast %add3A_139 : i32 to index
        %swap3A_459 = arith.constant 272 : index
        %swap3A_460 = tpu.vector_load %arg9[%swap3A_457, %swap3A_458, %swap3A_459] {strides = array<i32>} : memref<2x32x768xf32, #tpu.memory_space<vmem>>, vector<1x1x16xf32>,
        %swap3A_461 = vector.shape_cast %swap3A_460 : vector<1x1x16xf32> to vector<16xf32>
        %swap3A_462 = vector.shape_cast %add3A_456 : vector<16xf32> to vector<1x1x16xf32>
        tpu.vector_store %arg9[%swap3A_457, %swap3A_458, %swap3A_459], %swap3A_462 {strides = array<i32>} : memref<2x32x768xf32, #tpu.memory_space<vmem>>, vector<1x1x16xf32>,
        %get3A_463 = arith.index_cast %rem3A_79 : i32 to index
        %get3A_464 = arith.index_cast %add3A_139 : i32 to index
        %get3A_465 = arith.constant 288 : index
        %get3A_466 = tpu.vector_load %arg8[%get3A_463, %get3A_464, %get3A_465] {strides = array<i32>} : memref<2x32x768xf32, #tpu.memory_space<vmem>>, vector<1x1x16xf32>,
        %get3A_467 = vector.shape_cast %get3A_466 : vector<1x1x16xf32> to vector<16xf32>
        %mul3A_468 = arith.mulf %get3A_467, %get3A_4 : vector<16xf32>
        %get3A_469 = arith.index_cast %rem3A_79 : i32 to index
        %get3A_470 = arith.index_cast %add3A_139 : i32 to index
        %get3A_471 = arith.constant 288 : index
        %get3A_472 = tpu.vector_load %arg9[%get3A_469, %get3A_470, %get3A_471] {strides = array<i32>} : memref<2x32x768xf32, #tpu.memory_space<vmem>>, vector<1x1x16xf32>,
        %get3A_473 = vector.shape_cast %get3A_472 : vector<1x1x16xf32> to vector<16xf32>
        %add3A_474 = arith.addf %mul3A_468, %get3A_473 : vector<16xf32>
        %swap3A_475 = arith.index_cast %rem3A_79 : i32 to index
        %swap3A_476 = arith.index_cast %add3A_139 : i32 to index
        %swap3A_477 = arith.constant 288 : index
        %swap3A_478 = tpu.vector_load %arg9[%swap3A_475, %swap3A_476, %swap3A_477] {strides = array<i32>} : memref<2x32x768xf32, #tpu.memory_space<vmem>>, vector<1x1x16xf32>,
        %swap3A_479 = vector.shape_cast %swap3A_478 : vector<1x1x16xf32> to vector<16xf32>
        %swap3A_480 = vector.shape_cast %add3A_474 : vector<16xf32> to vector<1x1x16xf32>
        tpu.vector_store %arg9[%swap3A_475, %swap3A_476, %swap3A_477], %swap3A_480 {strides = array<i32>} : memref<2x32x768xf32, #tpu.memory_space<vmem>>, vector<1x1x16xf32>,
        %get3A_481 = arith.index_cast %rem3A_79 : i32 to index
        %get3A_482 = arith.index_cast %add3A_139 : i32 to index
        %get3A_483 = arith.constant 304 : index
        %get3A_484 = tpu.vector_load %arg8[%get3A_481, %get3A_482, %get3A_483] {strides = array<i32>} : memref<2x32x768xf32, #tpu.memory_space<vmem>>, vector<1x1x16xf32>,
        %get3A_485 = vector.shape_cast %get3A_484 : vector<1x1x16xf32> to vector<16xf32>
        %mul3A_486 = arith.mulf %get3A_485, %get3A_4 : vector<16xf32>
        %get3A_487 = arith.index_cast %rem3A_79 : i32 to index
        %get3A_488 = arith.index_cast %add3A_139 : i32 to index
        %get3A_489 = arith.constant 304 : index
        %get3A_490 = tpu.vector_load %arg9[%get3A_487, %get3A_488, %get3A_489] {strides = array<i32>} : memref<2x32x768xf32, #tpu.memory_space<vmem>>, vector<1x1x16xf32>,
        %get3A_491 = vector.shape_cast %get3A_490 : vector<1x1x16xf32> to vector<16xf32>
        %add3A_492 = arith.addf %mul3A_486, %get3A_491 : vector<16xf32>
        %swap3A_493 = arith.index_cast %rem3A_79 : i32 to index
        %swap3A_494 = arith.index_cast %add3A_139 : i32 to index
        %swap3A_495 = arith.constant 304 : index
        %swap3A_496 = tpu.vector_load %arg9[%swap3A_493, %swap3A_494, %swap3A_495] {strides = array<i32>} : memref<2x32x768xf32, #tpu.memory_space<vmem>>, vector<1x1x16xf32>,
        %swap3A_497 = vector.shape_cast %swap3A_496 : vector<1x1x16xf32> to vector<16xf32>
        %swap3A_498 = vector.shape_cast %add3A_492 : vector<16xf32> to vector<1x1x16xf32>
        tpu.vector_store %arg9[%swap3A_493, %swap3A_494, %swap3A_495], %swap3A_498 {strides = array<i32>} : memref<2x32x768xf32, #tpu.memory_space<vmem>>, vector<1x1x16xf32>,
        %get3A_499 = arith.index_cast %rem3A_79 : i32 to index
        %get3A_500 = arith.index_cast %add3A_139 : i32 to index
        %get3A_501 = arith.constant 320 : index
        %get3A_502 = tpu.vector_load %arg8[%get3A_499, %get3A_500, %get3A_501] {strides = array<i32>} : memref<2x32x768xf32, #tpu.memory_space<vmem>>, vector<1x1x16xf32>,
        %get3A_503 = vector.shape_cast %get3A_502 : vector<1x1x16xf32> to vector<16xf32>
        %mul3A_504 = arith.mulf %get3A_503, %get3A_4 : vector<16xf32>
        %get3A_505 = arith.index_cast %rem3A_79 : i32 to index
        %get3A_506 = arith.index_cast %add3A_139 : i32 to index
        %get3A_507 = arith.constant 320 : index
        %get3A_508 = tpu.vector_load %arg9[%get3A_505, %get3A_506, %get3A_507] {strides = array<i32>} : memref<2x32x768xf32, #tpu.memory_space<vmem>>, vector<1x1x16xf32>,
        %get3A_509 = vector.shape_cast %get3A_508 : vector<1x1x16xf32> to vector<16xf32>
        %add3A_510 = arith.addf %mul3A_504, %get3A_509 : vector<16xf32>
        %swap3A_511 = arith.index_cast %rem3A_79 : i32 to index
        %swap3A_512 = arith.index_cast %add3A_139 : i32 to index
        %swap3A_513 = arith.constant 320 : index
        %swap3A_514 = tpu.vector_load %arg9[%swap3A_511, %swap3A_512, %swap3A_513] {strides = array<i32>} : memref<2x32x768xf32, #tpu.memory_space<vmem>>, vector<1x1x16xf32>,
        %swap3A_515 = vector.shape_cast %swap3A_514 : vector<1x1x16xf32> to vector<16xf32>
        %swap3A_516 = vector.shape_cast %add3A_510 : vector<16xf32> to vector<1x1x16xf32>
        tpu.vector_store %arg9[%swap3A_511, %swap3A_512, %swap3A_513], %swap3A_516 {strides = array<i32>} : memref<2x32x768xf32, #tpu.memory_space<vmem>>, vector<1x1x16xf32>,
        %get3A_517 = arith.index_cast %rem3A_79 : i32 to index
        %get3A_518 = arith.index_cast %add3A_139 : i32 to index
        %get3A_519 = arith.constant 336 : index
        %get3A_520 = tpu.vector_load %arg8[%get3A_517, %get3A_518, %get3A_519] {strides = array<i32>} : memref<2x32x768xf32, #tpu.memory_space<vmem>>, vector<1x1x16xf32>,
        %get3A_521 = vector.shape_cast %get3A_520 : vector<1x1x16xf32> to vector<16xf32>
        %mul3A_522 = arith.mulf %get3A_521, %get3A_4 : vector<16xf32>
        %get3A_523 = arith.index_cast %rem3A_79 : i32 to index
        %get3A_524 = arith.index_cast %add3A_139 : i32 to index
        %get3A_525 = arith.constant 336 : index
        %get3A_526 = tpu.vector_load %arg9[%get3A_523, %get3A_524, %get3A_525] {strides = array<i32>} : memref<2x32x768xf32, #tpu.memory_space<vmem>>, vector<1x1x16xf32>,
        %get3A_527 = vector.shape_cast %get3A_526 : vector<1x1x16xf32> to vector<16xf32>
        %add3A_528 = arith.addf %mul3A_522, %get3A_527 : vector<16xf32>
        %swap3A_529 = arith.index_cast %rem3A_79 : i32 to index
        %swap3A_530 = arith.index_cast %add3A_139 : i32 to index
        %swap3A_531 = arith.constant 336 : index
        %swap3A_532 = tpu.vector_load %arg9[%swap3A_529, %swap3A_530, %swap3A_531] {strides = array<i32>} : memref<2x32x768xf32, #tpu.memory_space<vmem>>, vector<1x1x16xf32>,
        %swap3A_533 = vector.shape_cast %swap3A_532 : vector<1x1x16xf32> to vector<16xf32>
        %swap3A_534 = vector.shape_cast %add3A_528 : vector<16xf32> to vector<1x1x16xf32>
        tpu.vector_store %arg9[%swap3A_529, %swap3A_530, %swap3A_531], %swap3A_534 {strides = array<i32>} : memref<2x32x768xf32, #tpu.memory_space<vmem>>, vector<1x1x16xf32>,
        %get3A_535 = arith.index_cast %rem3A_79 : i32 to index
        %get3A_536 = arith.index_cast %add3A_139 : i32 to index
        %get3A_537 = arith.constant 352 : index
        %get3A_538 = tpu.vector_load %arg8[%get3A_535, %get3A_536, %get3A_537] {strides = array<i32>} : memref<2x32x768xf32, #tpu.memory_space<vmem>>, vector<1x1x16xf32>,
        %get3A_539 = vector.shape_cast %get3A_538 : vector<1x1x16xf32> to vector<16xf32>
        %mul3A_540 = arith.mulf %get3A_539, %get3A_4 : vector<16xf32>
        %get3A_541 = arith.index_cast %rem3A_79 : i32 to index
        %get3A_542 = arith.index_cast %add3A_139 : i32 to index
        %get3A_543 = arith.constant 352 : index
        %get3A_544 = tpu.vector_load %arg9[%get3A_541, %get3A_542, %get3A_543] {strides = array<i32>} : memref<2x32x768xf32, #tpu.memory_space<vmem>>, vector<1x1x16xf32>,
        %get3A_545 = vector.shape_cast %get3A_544 : vector<1x1x16xf32> to vector<16xf32>
        %add3A_546 = arith.addf %mul3A_540, %get3A_545 : vector<16xf32>
        %swap3A_547 = arith.index_cast %rem3A_79 : i32 to index
        %swap3A_548 = arith.index_cast %add3A_139 : i32 to index
        %swap3A_549 = arith.constant 352 : index
        %swap3A_550 = tpu.vector_load %arg9[%swap3A_547, %swap3A_548, %swap3A_549] {strides = array<i32>} : memref<2x32x768xf32, #tpu.memory_space<vmem>>, vector<1x1x16xf32>,
        %swap3A_551 = vector.shape_cast %swap3A_550 : vector<1x1x16xf32> to vector<16xf32>
        %swap3A_552 = vector.shape_cast %add3A_546 : vector<16xf32> to vector<1x1x16xf32>
        tpu.vector_store %arg9[%swap3A_547, %swap3A_548, %swap3A_549], %swap3A_552 {strides = array<i32>} : memref<2x32x768xf32, #tpu.memory_space<vmem>>, vector<1x1x16xf32>,
        %get3A_553 = arith.index_cast %rem3A_79 : i32 to index
        %get3A_554 = arith.index_cast %add3A_139 : i32 to index
        %get3A_555 = arith.constant 368 : index
        %get3A_556 = tpu.vector_load %arg8[%get3A_553, %get3A_554, %get3A_555] {strides = array<i32>} : memref<2x32x768xf32, #tpu.memory_space<vmem>>, vector<1x1x16xf32>,
        %get3A_557 = vector.shape_cast %get3A_556 : vector<1x1x16xf32> to vector<16xf32>
        %mul3A_558 = arith.mulf %get3A_557, %get3A_4 : vector<16xf32>
        %get3A_559 = arith.index_cast %rem3A_79 : i32 to index
        %get3A_560 = arith.index_cast %add3A_139 : i32 to index
        %get3A_561 = arith.constant 368 : index
        %get3A_562 = tpu.vector_load %arg9[%get3A_559, %get3A_560, %get3A_561] {strides = array<i32>} : memref<2x32x768xf32, #tpu.memory_space<vmem>>, vector<1x1x16xf32>,
        %get3A_563 = vector.shape_cast %get3A_562 : vector<1x1x16xf32> to vector<16xf32>
        %add3A_564 = arith.addf %mul3A_558, %get3A_563 : vector<16xf32>
        %swap3A_565 = arith.index_cast %rem3A_79 : i32 to index
        %swap3A_566 = arith.index_cast %add3A_139 : i32 to index
        %swap3A_567 = arith.constant 368 : index
        %swap3A_568 = tpu.vector_load %arg9[%swap3A_565, %swap3A_566, %swap3A_567] {strides = array<i32>} : memref<2x32x768xf32, #tpu.memory_space<vmem>>, vector<1x1x16xf32>,
        %swap3A_569 = vector.shape_cast %swap3A_568 : vector<1x1x16xf32> to vector<16xf32>
        %swap3A_570 = vector.shape_cast %add3A_564 : vector<16xf32> to vector<1x1x16xf32>
        tpu.vector_store %arg9[%swap3A_565, %swap3A_566, %swap3A_567], %swap3A_570 {strides = array<i32>} : memref<2x32x768xf32, #tpu.memory_space<vmem>>, vector<1x1x16xf32>,
        %get3A_571 = arith.index_cast %rem3A_79 : i32 to index
        %get3A_572 = arith.index_cast %add3A_139 : i32 to index
        %get3A_573 = arith.constant 384 : index
        %get3A_574 = tpu.vector_load %arg8[%get3A_571, %get3A_572, %get3A_573] {strides = array<i32>} : memref<2x32x768xf32, #tpu.memory_space<vmem>>, vector<1x1x16xf32>,
        %get3A_575 = vector.shape_cast %get3A_574 : vector<1x1x16xf32> to vector<16xf32>
        %mul3A_576 = arith.mulf %get3A_575, %get3A_4 : vector<16xf32>
        %get3A_577 = arith.index_cast %rem3A_79 : i32 to index
        %get3A_578 = arith.index_cast %add3A_139 : i32 to index
        %get3A_579 = arith.constant 384 : index
        %get3A_580 = tpu.vector_load %arg9[%get3A_577, %get3A_578, %get3A_579] {strides = array<i32>} : memref<2x32x768xf32, #tpu.memory_space<vmem>>, vector<1x1x16xf32>,
        %get3A_581 = vector.shape_cast %get3A_580 : vector<1x1x16xf32> to vector<16xf32>
        %add3A_582 = arith.addf %mul3A_576, %get3A_581 : vector<16xf32>
        %swap3A_583 = arith.index_cast %rem3A_79 : i32 to index
        %swap3A_584 = arith.index_cast %add3A_139 : i32 to index
        %swap3A_585 = arith.constant 384 : index
        %swap3A_586 = tpu.vector_load %arg9[%swap3A_583, %swap3A_584, %swap3A_585] {strides = array<i32>} : memref<2x32x768xf32, #tpu.memory_space<vmem>>, vector<1x1x16xf32>,
        %swap3A_587 = vector.shape_cast %swap3A_586 : vector<1x1x16xf32> to vector<16xf32>
        %swap3A_588 = vector.shape_cast %add3A_582 : vector<16xf32> to vector<1x1x16xf32>
        tpu.vector_store %arg9[%swap3A_583, %swap3A_584, %swap3A_585], %swap3A_588 {strides = array<i32>} : memref<2x32x768xf32, #tpu.memory_space<vmem>>, vector<1x1x16xf32>,
        %get3A_589 = arith.index_cast %rem3A_79 : i32 to index
        %get3A_590 = arith.index_cast %add3A_139 : i32 to index
        %get3A_591 = arith.constant 400 : index
        %get3A_592 = tpu.vector_load %arg8[%get3A_589, %get3A_590, %get3A_591] {strides = array<i32>} : memref<2x32x768xf32, #tpu.memory_space<vmem>>, vector<1x1x16xf32>,
        %get3A_593 = vector.shape_cast %get3A_592 : vector<1x1x16xf32> to vector<16xf32>
        %mul3A_594 = arith.mulf %get3A_593, %get3A_4 : vector<16xf32>
        %get3A_595 = arith.index_cast %rem3A_79 : i32 to index
        %get3A_596 = arith.index_cast %add3A_139 : i32 to index
        %get3A_597 = arith.constant 400 : index
        %get3A_598 = tpu.vector_load %arg9[%get3A_595, %get3A_596, %get3A_597] {strides = array<i32>} : memref<2x32x768xf32, #tpu.memory_space<vmem>>, vector<1x1x16xf32>,
        %get3A_599 = vector.shape_cast %get3A_598 : vector<1x1x16xf32> to vector<16xf32>
        %add3A_600 = arith.addf %mul3A_594, %get3A_599 : vector<16xf32>
        %swap3A_601 = arith.index_cast %rem3A_79 : i32 to index
        %swap3A_602 = arith.index_cast %add3A_139 : i32 to index
        %swap3A_603 = arith.constant 400 : index
        %swap3A_604 = tpu.vector_load %arg9[%swap3A_601, %swap3A_602, %swap3A_603] {strides = array<i32>} : memref<2x32x768xf32, #tpu.memory_space<vmem>>, vector<1x1x16xf32>,
        %swap3A_605 = vector.shape_cast %swap3A_604 : vector<1x1x16xf32> to vector<16xf32>
        %swap3A_606 = vector.shape_cast %add3A_600 : vector<16xf32> to vector<1x1x16xf32>
        tpu.vector_store %arg9[%swap3A_601, %swap3A_602, %swap3A_603], %swap3A_606 {strides = array<i32>} : memref<2x32x768xf32, #tpu.memory_space<vmem>>, vector<1x1x16xf32>,
        %get3A_607 = arith.index_cast %rem3A_79 : i32 to index
        %get3A_608 = arith.index_cast %add3A_139 : i32 to index
        %get3A_609 = arith.constant 416 : index
        %get3A_610 = tpu.vector_load %arg8[%get3A_607, %get3A_608, %get3A_609] {strides = array<i32>} : memref<2x32x768xf32, #tpu.memory_space<vmem>>, vector<1x1x16xf32>,
        %get3A_611 = vector.shape_cast %get3A_610 : vector<1x1x16xf32> to vector<16xf32>
        %mul3A_612 = arith.mulf %get3A_611, %get3A_4 : vector<16xf32>
        %get3A_613 = arith.index_cast %rem3A_79 : i32 to index
        %get3A_614 = arith.index_cast %add3A_139 : i32 to index
        %get3A_615 = arith.constant 416 : index
        %get3A_616 = tpu.vector_load %arg9[%get3A_613, %get3A_614, %get3A_615] {strides = array<i32>} : memref<2x32x768xf32, #tpu.memory_space<vmem>>, vector<1x1x16xf32>,
        %get3A_617 = vector.shape_cast %get3A_616 : vector<1x1x16xf32> to vector<16xf32>
        %add3A_618 = arith.addf %mul3A_612, %get3A_617 : vector<16xf32>
        %swap3A_619 = arith.index_cast %rem3A_79 : i32 to index
        %swap3A_620 = arith.index_cast %add3A_139 : i32 to index
        %swap3A_621 = arith.constant 416 : index
        %swap3A_622 = tpu.vector_load %arg9[%swap3A_619, %swap3A_620, %swap3A_621] {strides = array<i32>} : memref<2x32x768xf32, #tpu.memory_space<vmem>>, vector<1x1x16xf32>,
        %swap3A_623 = vector.shape_cast %swap3A_622 : vector<1x1x16xf32> to vector<16xf32>
        %swap3A_624 = vector.shape_cast %add3A_618 : vector<16xf32> to vector<1x1x16xf32>
        tpu.vector_store %arg9[%swap3A_619, %swap3A_620, %swap3A_621], %swap3A_624 {strides = array<i32>} : memref<2x32x768xf32, #tpu.memory_space<vmem>>, vector<1x1x16xf32>,
        %get3A_625 = arith.index_cast %rem3A_79 : i32 to index
        %get3A_626 = arith.index_cast %add3A_139 : i32 to index
        %get3A_627 = arith.constant 432 : index
        %get3A_628 = tpu.vector_load %arg8[%get3A_625, %get3A_626, %get3A_627] {strides = array<i32>} : memref<2x32x768xf32, #tpu.memory_space<vmem>>, vector<1x1x16xf32>,
        %get3A_629 = vector.shape_cast %get3A_628 : vector<1x1x16xf32> to vector<16xf32>
        %mul3A_630 = arith.mulf %get3A_629, %get3A_4 : vector<16xf32>
        %get3A_631 = arith.index_cast %rem3A_79 : i32 to index
        %get3A_632 = arith.index_cast %add3A_139 : i32 to index
        %get3A_633 = arith.constant 432 : index
        %get3A_634 = tpu.vector_load %arg9[%get3A_631, %get3A_632, %get3A_633] {strides = array<i32>} : memref<2x32x768xf32, #tpu.memory_space<vmem>>, vector<1x1x16xf32>,
        %get3A_635 = vector.shape_cast %get3A_634 : vector<1x1x16xf32> to vector<16xf32>
        %add3A_636 = arith.addf %mul3A_630, %get3A_635 : vector<16xf32>
        %swap3A_637 = arith.index_cast %rem3A_79 : i32 to index
        %swap3A_638 = arith.index_cast %add3A_139 : i32 to index
        %swap3A_639 = arith.constant 432 : index
        %swap3A_640 = tpu.vector_load %arg9[%swap3A_637, %swap3A_638, %swap3A_639] {strides = array<i32>} : memref<2x32x768xf32, #tpu.memory_space<vmem>>, vector<1x1x16xf32>,
        %swap3A_641 = vector.shape_cast %swap3A_640 : vector<1x1x16xf32> to vector<16xf32>
        %swap3A_642 = vector.shape_cast %add3A_636 : vector<16xf32> to vector<1x1x16xf32>
        tpu.vector_store %arg9[%swap3A_637, %swap3A_638, %swap3A_639], %swap3A_642 {strides = array<i32>} : memref<2x32x768xf32, #tpu.memory_space<vmem>>, vector<1x1x16xf32>,
        %get3A_643 = arith.index_cast %rem3A_79 : i32 to index
        %get3A_644 = arith.index_cast %add3A_139 : i32 to index
        %get3A_645 = arith.constant 448 : index
        %get3A_646 = tpu.vector_load %arg8[%get3A_643, %get3A_644, %get3A_645] {strides = array<i32>} : memref<2x32x768xf32, #tpu.memory_space<vmem>>, vector<1x1x16xf32>,
        %get3A_647 = vector.shape_cast %get3A_646 : vector<1x1x16xf32> to vector<16xf32>
        %mul3A_648 = arith.mulf %get3A_647, %get3A_4 : vector<16xf32>
        %get3A_649 = arith.index_cast %rem3A_79 : i32 to index
        %get3A_650 = arith.index_cast %add3A_139 : i32 to index
        %get3A_651 = arith.constant 448 : index
        %get3A_652 = tpu.vector_load %arg9[%get3A_649, %get3A_650, %get3A_651] {strides = array<i32>} : memref<2x32x768xf32, #tpu.memory_space<vmem>>, vector<1x1x16xf32>,
        %get3A_653 = vector.shape_cast %get3A_652 : vector<1x1x16xf32> to vector<16xf32>
        %add3A_654 = arith.addf %mul3A_648, %get3A_653 : vector<16xf32>
        %swap3A_655 = arith.index_cast %rem3A_79 : i32 to index
        %swap3A_656 = arith.index_cast %add3A_139 : i32 to index
        %swap3A_657 = arith.constant 448 : index
        %swap3A_658 = tpu.vector_load %arg9[%swap3A_655, %swap3A_656, %swap3A_657] {strides = array<i32>} : memref<2x32x768xf32, #tpu.memory_space<vmem>>, vector<1x1x16xf32>,
        %swap3A_659 = vector.shape_cast %swap3A_658 : vector<1x1x16xf32> to vector<16xf32>
        %swap3A_660 = vector.shape_cast %add3A_654 : vector<16xf32> to vector<1x1x16xf32>
        tpu.vector_store %arg9[%swap3A_655, %swap3A_656, %swap3A_657], %swap3A_660 {strides = array<i32>} : memref<2x32x768xf32, #tpu.memory_space<vmem>>, vector<1x1x16xf32>,
        %get3A_661 = arith.index_cast %rem3A_79 : i32 to index
        %get3A_662 = arith.index_cast %add3A_139 : i32 to index
        %get3A_663 = arith.constant 464 : index
        %get3A_664 = tpu.vector_load %arg8[%get3A_661, %get3A_662, %get3A_663] {strides = array<i32>} : memref<2x32x768xf32, #tpu.memory_space<vmem>>, vector<1x1x16xf32>,
        %get3A_665 = vector.shape_cast %get3A_664 : vector<1x1x16xf32> to vector<16xf32>
        %mul3A_666 = arith.mulf %get3A_665, %get3A_4 : vector<16xf32>
        %get3A_667 = arith.index_cast %rem3A_79 : i32 to index
        %get3A_668 = arith.index_cast %add3A_139 : i32 to index
        %get3A_669 = arith.constant 464 : index
        %get3A_670 = tpu.vector_load %arg9[%get3A_667, %get3A_668, %get3A_669] {strides = array<i32>} : memref<2x32x768xf32, #tpu.memory_space<vmem>>, vector<1x1x16xf32>,
        %get3A_671 = vector.shape_cast %get3A_670 : vector<1x1x16xf32> to vector<16xf32>
        %add3A_672 = arith.addf %mul3A_666, %get3A_671 : vector<16xf32>
        %swap3A_673 = arith.index_cast %rem3A_79 : i32 to index
        %swap3A_674 = arith.index_cast %add3A_139 : i32 to index
        %swap3A_675 = arith.constant 464 : index
        %swap3A_676 = tpu.vector_load %arg9[%swap3A_673, %swap3A_674, %swap3A_675] {strides = array<i32>} : memref<2x32x768xf32, #tpu.memory_space<vmem>>, vector<1x1x16xf32>,
        %swap3A_677 = vector.shape_cast %swap3A_676 : vector<1x1x16xf32> to vector<16xf32>
        %swap3A_678 = vector.shape_cast %add3A_672 : vector<16xf32> to vector<1x1x16xf32>
        tpu.vector_store %arg9[%swap3A_673, %swap3A_674, %swap3A_675], %swap3A_678 {strides = array<i32>} : memref<2x32x768xf32, #tpu.memory_space<vmem>>, vector<1x1x16xf32>,
        %get3A_679 = arith.index_cast %rem3A_79 : i32 to index
        %get3A_680 = arith.index_cast %add3A_139 : i32 to index
        %get3A_681 = arith.constant 480 : index
        %get3A_682 = tpu.vector_load %arg8[%get3A_679, %get3A_680, %get3A_681] {strides = array<i32>} : memref<2x32x768xf32, #tpu.memory_space<vmem>>, vector<1x1x16xf32>,
        %get3A_683 = vector.shape_cast %get3A_682 : vector<1x1x16xf32> to vector<16xf32>
        %mul3A_684 = arith.mulf %get3A_683, %get3A_4 : vector<16xf32>
        %get3A_685 = arith.index_cast %rem3A_79 : i32 to index
        %get3A_686 = arith.index_cast %add3A_139 : i32 to index
        %get3A_687 = arith.constant 480 : index
        %get3A_688 = tpu.vector_load %arg9[%get3A_685, %get3A_686, %get3A_687] {strides = array<i32>} : memref<2x32x768xf32, #tpu.memory_space<vmem>>, vector<1x1x16xf32>,
        %get3A_689 = vector.shape_cast %get3A_688 : vector<1x1x16xf32> to vector<16xf32>
        %add3A_690 = arith.addf %mul3A_684, %get3A_689 : vector<16xf32>
        %swap3A_691 = arith.index_cast %rem3A_79 : i32 to index
        %swap3A_692 = arith.index_cast %add3A_139 : i32 to index
        %swap3A_693 = arith.constant 480 : index
        %swap3A_694 = tpu.vector_load %arg9[%swap3A_691, %swap3A_692, %swap3A_693] {strides = array<i32>} : memref<2x32x768xf32, #tpu.memory_space<vmem>>, vector<1x1x16xf32>,
        %swap3A_695 = vector.shape_cast %swap3A_694 : vector<1x1x16xf32> to vector<16xf32>
        %swap3A_696 = vector.shape_cast %add3A_690 : vector<16xf32> to vector<1x1x16xf32>
        tpu.vector_store %arg9[%swap3A_691, %swap3A_692, %swap3A_693], %swap3A_696 {strides = array<i32>} : memref<2x32x768xf32, #tpu.memory_space<vmem>>, vector<1x1x16xf32>,
        %get3A_697 = arith.index_cast %rem3A_79 : i32 to index
        %get3A_698 = arith.index_cast %add3A_139 : i32 to index
        %get3A_699 = arith.constant 496 : index
        %get3A_700 = tpu.vector_load %arg8[%get3A_697, %get3A_698, %get3A_699] {strides = array<i32>} : memref<2x32x768xf32, #tpu.memory_space<vmem>>, vector<1x1x16xf32>,
        %get3A_701 = vector.shape_cast %get3A_700 : vector<1x1x16xf32> to vector<16xf32>
        %mul3A_702 = arith.mulf %get3A_701, %get3A_4 : vector<16xf32>
        %get3A_703 = arith.index_cast %rem3A_79 : i32 to index
        %get3A_704 = arith.index_cast %add3A_139 : i32 to index
        %get3A_705 = arith.constant 496 : index
        %get3A_706 = tpu.vector_load %arg9[%get3A_703, %get3A_704, %get3A_705] {strides = array<i32>} : memref<2x32x768xf32, #tpu.memory_space<vmem>>, vector<1x1x16xf32>,
        %get3A_707 = vector.shape_cast %get3A_706 : vector<1x1x16xf32> to vector<16xf32>
        %add3A_708 = arith.addf %mul3A_702, %get3A_707 : vector<16xf32>
        %swap3A_709 = arith.index_cast %rem3A_79 : i32 to index
        %swap3A_710 = arith.index_cast %add3A_139 : i32 to index
        %swap3A_711 = arith.constant 496 : index
        %swap3A_712 = tpu.vector_load %arg9[%swap3A_709, %swap3A_710, %swap3A_711] {strides = array<i32>} : memref<2x32x768xf32, #tpu.memory_space<vmem>>, vector<1x1x16xf32>,
        %swap3A_713 = vector.shape_cast %swap3A_712 : vector<1x1x16xf32> to vector<16xf32>
        %swap3A_714 = vector.shape_cast %add3A_708 : vector<16xf32> to vector<1x1x16xf32>
        tpu.vector_store %arg9[%swap3A_709, %swap3A_710, %swap3A_711], %swap3A_714 {strides = array<i32>} : memref<2x32x768xf32, #tpu.memory_space<vmem>>, vector<1x1x16xf32>,
        %get3A_715 = arith.index_cast %rem3A_79 : i32 to index
        %get3A_716 = arith.index_cast %add3A_139 : i32 to index
        %get3A_717 = arith.constant 512 : index
        %get3A_718 = tpu.vector_load %arg8[%get3A_715, %get3A_716, %get3A_717] {strides = array<i32>} : memref<2x32x768xf32, #tpu.memory_space<vmem>>, vector<1x1x16xf32>,
        %get3A_719 = vector.shape_cast %get3A_718 : vector<1x1x16xf32> to vector<16xf32>
        %mul3A_720 = arith.mulf %get3A_719, %get3A_4 : vector<16xf32>
        %get3A_721 = arith.index_cast %rem3A_79 : i32 to index
        %get3A_722 = arith.index_cast %add3A_139 : i32 to index
        %get3A_723 = arith.constant 512 : index
        %get3A_724 = tpu.vector_load %arg9[%get3A_721, %get3A_722, %get3A_723] {strides = array<i32>} : memref<2x32x768xf32, #tpu.memory_space<vmem>>, vector<1x1x16xf32>,
        %get3A_725 = vector.shape_cast %get3A_724 : vector<1x1x16xf32> to vector<16xf32>
        %add3A_726 = arith.addf %mul3A_720, %get3A_725 : vector<16xf32>
        %swap3A_727 = arith.index_cast %rem3A_79 : i32 to index
        %swap3A_728 = arith.index_cast %add3A_139 : i32 to index
        %swap3A_729 = arith.constant 512 : index
        %swap3A_730 = tpu.vector_load %arg9[%swap3A_727, %swap3A_728, %swap3A_729] {strides = array<i32>} : memref<2x32x768xf32, #tpu.memory_space<vmem>>, vector<1x1x16xf32>,
        %swap3A_731 = vector.shape_cast %swap3A_730 : vector<1x1x16xf32> to vector<16xf32>
        %swap3A_732 = vector.shape_cast %add3A_726 : vector<16xf32> to vector<1x1x16xf32>
        tpu.vector_store %arg9[%swap3A_727, %swap3A_728, %swap3A_729], %swap3A_732 {strides = array<i32>} : memref<2x32x768xf32, #tpu.memory_space<vmem>>, vector<1x1x16xf32>,
        %get3A_733 = arith.index_cast %rem3A_79 : i32 to index
        %get3A_734 = arith.index_cast %add3A_139 : i32 to index
        %get3A_735 = arith.constant 528 : index
        %get3A_736 = tpu.vector_load %arg8[%get3A_733, %get3A_734, %get3A_735] {strides = array<i32>} : memref<2x32x768xf32, #tpu.memory_space<vmem>>, vector<1x1x16xf32>,
        %get3A_737 = vector.shape_cast %get3A_736 : vector<1x1x16xf32> to vector<16xf32>
        %mul3A_738 = arith.mulf %get3A_737, %get3A_4 : vector<16xf32>
        %get3A_739 = arith.index_cast %rem3A_79 : i32 to index
        %get3A_740 = arith.index_cast %add3A_139 : i32 to index
        %get3A_741 = arith.constant 528 : index
        %get3A_742 = tpu.vector_load %arg9[%get3A_739, %get3A_740, %get3A_741] {strides = array<i32>} : memref<2x32x768xf32, #tpu.memory_space<vmem>>, vector<1x1x16xf32>,
        %get3A_743 = vector.shape_cast %get3A_742 : vector<1x1x16xf32> to vector<16xf32>
        %add3A_744 = arith.addf %mul3A_738, %get3A_743 : vector<16xf32>
        %swap3A_745 = arith.index_cast %rem3A_79 : i32 to index
        %swap3A_746 = arith.index_cast %add3A_139 : i32 to index
        %swap3A_747 = arith.constant 528 : index
        %swap3A_748 = tpu.vector_load %arg9[%swap3A_745, %swap3A_746, %swap3A_747] {strides = array<i32>} : memref<2x32x768xf32, #tpu.memory_space<vmem>>, vector<1x1x16xf32>,
        %swap3A_749 = vector.shape_cast %swap3A_748 : vector<1x1x16xf32> to vector<16xf32>
        %swap3A_750 = vector.shape_cast %add3A_744 : vector<16xf32> to vector<1x1x16xf32>
        tpu.vector_store %arg9[%swap3A_745, %swap3A_746, %swap3A_747], %swap3A_750 {strides = array<i32>} : memref<2x32x768xf32, #tpu.memory_space<vmem>>, vector<1x1x16xf32>,
        %get3A_751 = arith.index_cast %rem3A_79 : i32 to index
        %get3A_752 = arith.index_cast %add3A_139 : i32 to index
        %get3A_753 = arith.constant 544 : index
        %get3A_754 = tpu.vector_load %arg8[%get3A_751, %get3A_752, %get3A_753] {strides = array<i32>} : memref<2x32x768xf32, #tpu.memory_space<vmem>>, vector<1x1x16xf32>,
        %get3A_755 = vector.shape_cast %get3A_754 : vector<1x1x16xf32> to vector<16xf32>
        %mul3A_756 = arith.mulf %get3A_755, %get3A_4 : vector<16xf32>
        %get3A_757 = arith.index_cast %rem3A_79 : i32 to index
        %get3A_758 = arith.index_cast %add3A_139 : i32 to index
        %get3A_759 = arith.constant 544 : index
        %get3A_760 = tpu.vector_load %arg9[%get3A_757, %get3A_758, %get3A_759] {strides = array<i32>} : memref<2x32x768xf32, #tpu.memory_space<vmem>>, vector<1x1x16xf32>,
        %get3A_761 = vector.shape_cast %get3A_760 : vector<1x1x16xf32> to vector<16xf32>
        %add3A_762 = arith.addf %mul3A_756, %get3A_761 : vector<16xf32>
        %swap3A_763 = arith.index_cast %rem3A_79 : i32 to index
        %swap3A_764 = arith.index_cast %add3A_139 : i32 to index
        %swap3A_765 = arith.constant 544 : index
        %swap3A_766 = tpu.vector_load %arg9[%swap3A_763, %swap3A_764, %swap3A_765] {strides = array<i32>} : memref<2x32x768xf32, #tpu.memory_space<vmem>>, vector<1x1x16xf32>,
        %swap3A_767 = vector.shape_cast %swap3A_766 : vector<1x1x16xf32> to vector<16xf32>
        %swap3A_768 = vector.shape_cast %add3A_762 : vector<16xf32> to vector<1x1x16xf32>
        tpu.vector_store %arg9[%swap3A_763, %swap3A_764, %swap3A_765], %swap3A_768 {strides = array<i32>} : memref<2x32x768xf32, #tpu.memory_space<vmem>>, vector<1x1x16xf32>,
        %get3A_769 = arith.index_cast %rem3A_79 : i32 to index
        %get3A_770 = arith.index_cast %add3A_139 : i32 to index
        %get3A_771 = arith.constant 560 : index
        %get3A_772 = tpu.vector_load %arg8[%get3A_769, %get3A_770, %get3A_771] {strides = array<i32>} : memref<2x32x768xf32, #tpu.memory_space<vmem>>, vector<1x1x16xf32>,
        %get3A_773 = vector.shape_cast %get3A_772 : vector<1x1x16xf32> to vector<16xf32>
        %mul3A_774 = arith.mulf %get3A_773, %get3A_4 : vector<16xf32>
        %get3A_775 = arith.index_cast %rem3A_79 : i32 to index
        %get3A_776 = arith.index_cast %add3A_139 : i32 to index
        %get3A_777 = arith.constant 560 : index
        %get3A_778 = tpu.vector_load %arg9[%get3A_775, %get3A_776, %get3A_777] {strides = array<i32>} : memref<2x32x768xf32, #tpu.memory_space<vmem>>, vector<1x1x16xf32>,
        %get3A_779 = vector.shape_cast %get3A_778 : vector<1x1x16xf32> to vector<16xf32>
        %add3A_780 = arith.addf %mul3A_774, %get3A_779 : vector<16xf32>
        %swap3A_781 = arith.index_cast %rem3A_79 : i32 to index
        %swap3A_782 = arith.index_cast %add3A_139 : i32 to index
        %swap3A_783 = arith.constant 560 : index
        %swap3A_784 = tpu.vector_load %arg9[%swap3A_781, %swap3A_782, %swap3A_783] {strides = array<i32>} : memref<2x32x768xf32, #tpu.memory_space<vmem>>, vector<1x1x16xf32>,
        %swap3A_785 = vector.shape_cast %swap3A_784 : vector<1x1x16xf32> to vector<16xf32>
        %swap3A_786 = vector.shape_cast %add3A_780 : vector<16xf32> to vector<1x1x16xf32>
        tpu.vector_store %arg9[%swap3A_781, %swap3A_782, %swap3A_783], %swap3A_786 {strides = array<i32>} : memref<2x32x768xf32, #tpu.memory_space<vmem>>, vector<1x1x16xf32>,
        %get3A_787 = arith.index_cast %rem3A_79 : i32 to index
        %get3A_788 = arith.index_cast %add3A_139 : i32 to index
        %get3A_789 = arith.constant 576 : index
        %get3A_790 = tpu.vector_load %arg8[%get3A_787, %get3A_788, %get3A_789] {strides = array<i32>} : memref<2x32x768xf32, #tpu.memory_space<vmem>>, vector<1x1x16xf32>,
        %get3A_791 = vector.shape_cast %get3A_790 : vector<1x1x16xf32> to vector<16xf32>
        %mul3A_792 = arith.mulf %get3A_791, %get3A_4 : vector<16xf32>
        %get3A_793 = arith.index_cast %rem3A_79 : i32 to index
        %get3A_794 = arith.index_cast %add3A_139 : i32 to index
        %get3A_795 = arith.constant 576 : index
        %get3A_796 = tpu.vector_load %arg9[%get3A_793, %get3A_794, %get3A_795] {strides = array<i32>} : memref<2x32x768xf32, #tpu.memory_space<vmem>>, vector<1x1x16xf32>,
        %get3A_797 = vector.shape_cast %get3A_796 : vector<1x1x16xf32> to vector<16xf32>
        %add3A_798 = arith.addf %mul3A_792, %get3A_797 : vector<16xf32>
        %swap3A_799 = arith.index_cast %rem3A_79 : i32 to index
        %swap3A_800 = arith.index_cast %add3A_139 : i32 to index
        %swap3A_801 = arith.constant 576 : index
        %swap3A_802 = tpu.vector_load %arg9[%swap3A_799, %swap3A_800, %swap3A_801] {strides = array<i32>} : memref<2x32x768xf32, #tpu.memory_space<vmem>>, vector<1x1x16xf32>,
        %swap3A_803 = vector.shape_cast %swap3A_802 : vector<1x1x16xf32> to vector<16xf32>
        %swap3A_804 = vector.shape_cast %add3A_798 : vector<16xf32> to vector<1x1x16xf32>
        tpu.vector_store %arg9[%swap3A_799, %swap3A_800, %swap3A_801], %swap3A_804 {strides = array<i32>} : memref<2x32x768xf32, #tpu.memory_space<vmem>>, vector<1x1x16xf32>,
        %get3A_805 = arith.index_cast %rem3A_79 : i32 to index
        %get3A_806 = arith.index_cast %add3A_139 : i32 to index
        %get3A_807 = arith.constant 592 : index
        %get3A_808 = tpu.vector_load %arg8[%get3A_805, %get3A_806, %get3A_807] {strides = array<i32>} : memref<2x32x768xf32, #tpu.memory_space<vmem>>, vector<1x1x16xf32>,
        %get3A_809 = vector.shape_cast %get3A_808 : vector<1x1x16xf32> to vector<16xf32>
        %mul3A_810 = arith.mulf %get3A_809, %get3A_4 : vector<16xf32>
        %get3A_811 = arith.index_cast %rem3A_79 : i32 to index
        %get3A_812 = arith.index_cast %add3A_139 : i32 to index
        %get3A_813 = arith.constant 592 : index
        %get3A_814 = tpu.vector_load %arg9[%get3A_811, %get3A_812, %get3A_813] {strides = array<i32>} : memref<2x32x768xf32, #tpu.memory_space<vmem>>, vector<1x1x16xf32>,
        %get3A_815 = vector.shape_cast %get3A_814 : vector<1x1x16xf32> to vector<16xf32>
        %add3A_816 = arith.addf %mul3A_810, %get3A_815 : vector<16xf32>
        %swap3A_817 = arith.index_cast %rem3A_79 : i32 to index
        %swap3A_818 = arith.index_cast %add3A_139 : i32 to index
        %swap3A_819 = arith.constant 592 : index
        %swap3A_820 = tpu.vector_load %arg9[%swap3A_817, %swap3A_818, %swap3A_819] {strides = array<i32>} : memref<2x32x768xf32, #tpu.memory_space<vmem>>, vector<1x1x16xf32>,
        %swap3A_821 = vector.shape_cast %swap3A_820 : vector<1x1x16xf32> to vector<16xf32>
        %swap3A_822 = vector.shape_cast %add3A_816 : vector<16xf32> to vector<1x1x16xf32>
        tpu.vector_store %arg9[%swap3A_817, %swap3A_818, %swap3A_819], %swap3A_822 {strides = array<i32>} : memref<2x32x768xf32, #tpu.memory_space<vmem>>, vector<1x1x16xf32>,
        %get3A_823 = arith.index_cast %rem3A_79 : i32 to index
        %get3A_824 = arith.index_cast %add3A_139 : i32 to index
        %get3A_825 = arith.constant 608 : index
        %get3A_826 = tpu.vector_load %arg8[%get3A_823, %get3A_824, %get3A_825] {strides = array<i32>} : memref<2x32x768xf32, #tpu.memory_space<vmem>>, vector<1x1x16xf32>,
        %get3A_827 = vector.shape_cast %get3A_826 : vector<1x1x16xf32> to vector<16xf32>
        %mul3A_828 = arith.mulf %get3A_827, %get3A_4 : vector<16xf32>
        %get3A_829 = arith.index_cast %rem3A_79 : i32 to index
        %get3A_830 = arith.index_cast %add3A_139 : i32 to index
        %get3A_831 = arith.constant 608 : index
        %get3A_832 = tpu.vector_load %arg9[%get3A_829, %get3A_830, %get3A_831] {strides = array<i32>} : memref<2x32x768xf32, #tpu.memory_space<vmem>>, vector<1x1x16xf32>,
        %get3A_833 = vector.shape_cast %get3A_832 : vector<1x1x16xf32> to vector<16xf32>
        %add3A_834 = arith.addf %mul3A_828, %get3A_833 : vector<16xf32>
        %swap3A_835 = arith.index_cast %rem3A_79 : i32 to index
        %swap3A_836 = arith.index_cast %add3A_139 : i32 to index
        %swap3A_837 = arith.constant 608 : index
        %swap3A_838 = tpu.vector_load %arg9[%swap3A_835, %swap3A_836, %swap3A_837] {strides = array<i32>} : memref<2x32x768xf32, #tpu.memory_space<vmem>>, vector<1x1x16xf32>,
        %swap3A_839 = vector.shape_cast %swap3A_838 : vector<1x1x16xf32> to vector<16xf32>
        %swap3A_840 = vector.shape_cast %add3A_834 : vector<16xf32> to vector<1x1x16xf32>
        tpu.vector_store %arg9[%swap3A_835, %swap3A_836, %swap3A_837], %swap3A_840 {strides = array<i32>} : memref<2x32x768xf32, #tpu.memory_space<vmem>>, vector<1x1x16xf32>,
        %get3A_841 = arith.index_cast %rem3A_79 : i32 to index
        %get3A_842 = arith.index_cast %add3A_139 : i32 to index
        %get3A_843 = arith.constant 624 : index
        %get3A_844 = tpu.vector_load %arg8[%get3A_841, %get3A_842, %get3A_843] {strides = array<i32>} : memref<2x32x768xf32, #tpu.memory_space<vmem>>, vector<1x1x16xf32>,
        %get3A_845 = vector.shape_cast %get3A_844 : vector<1x1x16xf32> to vector<16xf32>
        %mul3A_846 = arith.mulf %get3A_845, %get3A_4 : vector<16xf32>
        %get3A_847 = arith.index_cast %rem3A_79 : i32 to index
        %get3A_848 = arith.index_cast %add3A_139 : i32 to index
        %get3A_849 = arith.constant 624 : index
        %get3A_850 = tpu.vector_load %arg9[%get3A_847, %get3A_848, %get3A_849] {strides = array<i32>} : memref<2x32x768xf32, #tpu.memory_space<vmem>>, vector<1x1x16xf32>,
        %get3A_851 = vector.shape_cast %get3A_850 : vector<1x1x16xf32> to vector<16xf32>
        %add3A_852 = arith.addf %mul3A_846, %get3A_851 : vector<16xf32>
        %swap3A_853 = arith.index_cast %rem3A_79 : i32 to index
        %swap3A_854 = arith.index_cast %add3A_139 : i32 to index
        %swap3A_855 = arith.constant 624 : index
        %swap3A_856 = tpu.vector_load %arg9[%swap3A_853, %swap3A_854, %swap3A_855] {strides = array<i32>} : memref<2x32x768xf32, #tpu.memory_space<vmem>>, vector<1x1x16xf32>,
        %swap3A_857 = vector.shape_cast %swap3A_856 : vector<1x1x16xf32> to vector<16xf32>
        %swap3A_858 = vector.shape_cast %add3A_852 : vector<16xf32> to vector<1x1x16xf32>
        tpu.vector_store %arg9[%swap3A_853, %swap3A_854, %swap3A_855], %swap3A_858 {strides = array<i32>} : memref<2x32x768xf32, #tpu.memory_space<vmem>>, vector<1x1x16xf32>,
        %get3A_859 = arith.index_cast %rem3A_79 : i32 to index
        %get3A_860 = arith.index_cast %add3A_139 : i32 to index
        %get3A_861 = arith.constant 640 : index
        %get3A_862 = tpu.vector_load %arg8[%get3A_859, %get3A_860, %get3A_861] {strides = array<i32>} : memref<2x32x768xf32, #tpu.memory_space<vmem>>, vector<1x1x16xf32>,
        %get3A_863 = vector.shape_cast %get3A_862 : vector<1x1x16xf32> to vector<16xf32>
        %mul3A_864 = arith.mulf %get3A_863, %get3A_4 : vector<16xf32>
        %get3A_865 = arith.index_cast %rem3A_79 : i32 to index
        %get3A_866 = arith.index_cast %add3A_139 : i32 to index
        %get3A_867 = arith.constant 640 : index
        %get3A_868 = tpu.vector_load %arg9[%get3A_865, %get3A_866, %get3A_867] {strides = array<i32>} : memref<2x32x768xf32, #tpu.memory_space<vmem>>, vector<1x1x16xf32>,
        %get3A_869 = vector.shape_cast %get3A_868 : vector<1x1x16xf32> to vector<16xf32>
        %add3A_870 = arith.addf %mul3A_864, %get3A_869 : vector<16xf32>
        %swap3A_871 = arith.index_cast %rem3A_79 : i32 to index
        %swap3A_872 = arith.index_cast %add3A_139 : i32 to index
        %swap3A_873 = arith.constant 640 : index
        %swap3A_874 = tpu.vector_load %arg9[%swap3A_871, %swap3A_872, %swap3A_873] {strides = array<i32>} : memref<2x32x768xf32, #tpu.memory_space<vmem>>, vector<1x1x16xf32>,
        %swap3A_875 = vector.shape_cast %swap3A_874 : vector<1x1x16xf32> to vector<16xf32>
        %swap3A_876 = vector.shape_cast %add3A_870 : vector<16xf32> to vector<1x1x16xf32>
        tpu.vector_store %arg9[%swap3A_871, %swap3A_872, %swap3A_873], %swap3A_876 {strides = array<i32>} : memref<2x32x768xf32, #tpu.memory_space<vmem>>, vector<1x1x16xf32>,
        %get3A_877 = arith.index_cast %rem3A_79 : i32 to index
        %get3A_878 = arith.index_cast %add3A_139 : i32 to index
        %get3A_879 = arith.constant 656 : index
        %get3A_880 = tpu.vector_load %arg8[%get3A_877, %get3A_878, %get3A_879] {strides = array<i32>} : memref<2x32x768xf32, #tpu.memory_space<vmem>>, vector<1x1x16xf32>,
        %get3A_881 = vector.shape_cast %get3A_880 : vector<1x1x16xf32> to vector<16xf32>
        %mul3A_882 = arith.mulf %get3A_881, %get3A_4 : vector<16xf32>
        %get3A_883 = arith.index_cast %rem3A_79 : i32 to index
        %get3A_884 = arith.index_cast %add3A_139 : i32 to index
        %get3A_885 = arith.constant 656 : index
        %get3A_886 = tpu.vector_load %arg9[%get3A_883, %get3A_884, %get3A_885] {strides = array<i32>} : memref<2x32x768xf32, #tpu.memory_space<vmem>>, vector<1x1x16xf32>,
        %get3A_887 = vector.shape_cast %get3A_886 : vector<1x1x16xf32> to vector<16xf32>
        %add3A_888 = arith.addf %mul3A_882, %get3A_887 : vector<16xf32>
        %swap3A_889 = arith.index_cast %rem3A_79 : i32 to index
        %swap3A_890 = arith.index_cast %add3A_139 : i32 to index
        %swap3A_891 = arith.constant 656 : index
        %swap3A_892 = tpu.vector_load %arg9[%swap3A_889, %swap3A_890, %swap3A_891] {strides = array<i32>} : memref<2x32x768xf32, #tpu.memory_space<vmem>>, vector<1x1x16xf32>,
        %swap3A_893 = vector.shape_cast %swap3A_892 : vector<1x1x16xf32> to vector<16xf32>
        %swap3A_894 = vector.shape_cast %add3A_888 : vector<16xf32> to vector<1x1x16xf32>
        tpu.vector_store %arg9[%swap3A_889, %swap3A_890, %swap3A_891], %swap3A_894 {strides = array<i32>} : memref<2x32x768xf32, #tpu.memory_space<vmem>>, vector<1x1x16xf32>,
        %get3A_895 = arith.index_cast %rem3A_79 : i32 to index
        %get3A_896 = arith.index_cast %add3A_139 : i32 to index
        %get3A_897 = arith.constant 672 : index
        %get3A_898 = tpu.vector_load %arg8[%get3A_895, %get3A_896, %get3A_897] {strides = array<i32>} : memref<2x32x768xf32, #tpu.memory_space<vmem>>, vector<1x1x16xf32>,
        %get3A_899 = vector.shape_cast %get3A_898 : vector<1x1x16xf32> to vector<16xf32>
        %mul3A_900 = arith.mulf %get3A_899, %get3A_4 : vector<16xf32>
        %get3A_901 = arith.index_cast %rem3A_79 : i32 to index
        %get3A_902 = arith.index_cast %add3A_139 : i32 to index
        %get3A_903 = arith.constant 672 : index
        %get3A_904 = tpu.vector_load %arg9[%get3A_901, %get3A_902, %get3A_903] {strides = array<i32>} : memref<2x32x768xf32, #tpu.memory_space<vmem>>, vector<1x1x16xf32>,
        %get3A_905 = vector.shape_cast %get3A_904 : vector<1x1x16xf32> to vector<16xf32>
        %add3A_906 = arith.addf %mul3A_900, %get3A_905 : vector<16xf32>
        %swap3A_907 = arith.index_cast %rem3A_79 : i32 to index
        %swap3A_908 = arith.index_cast %add3A_139 : i32 to index
        %swap3A_909 = arith.constant 672 : index
        %swap3A_910 = tpu.vector_load %arg9[%swap3A_907, %swap3A_908, %swap3A_909] {strides = array<i32>} : memref<2x32x768xf32, #tpu.memory_space<vmem>>, vector<1x1x16xf32>,
        %swap3A_911 = vector.shape_cast %swap3A_910 : vector<1x1x16xf32> to vector<16xf32>
        %swap3A_912 = vector.shape_cast %add3A_906 : vector<16xf32> to vector<1x1x16xf32>
        tpu.vector_store %arg9[%swap3A_907, %swap3A_908, %swap3A_909], %swap3A_912 {strides = array<i32>} : memref<2x32x768xf32, #tpu.memory_space<vmem>>, vector<1x1x16xf32>,
        %get3A_913 = arith.index_cast %rem3A_79 : i32 to index
        %get3A_914 = arith.index_cast %add3A_139 : i32 to index
        %get3A_915 = arith.constant 688 : index
        %get3A_916 = tpu.vector_load %arg8[%get3A_913, %get3A_914, %get3A_915] {strides = array<i32>} : memref<2x32x768xf32, #tpu.memory_space<vmem>>, vector<1x1x16xf32>,
        %get3A_917 = vector.shape_cast %get3A_916 : vector<1x1x16xf32> to vector<16xf32>
        %mul3A_918 = arith.mulf %get3A_917, %get3A_4 : vector<16xf32>
        %get3A_919 = arith.index_cast %rem3A_79 : i32 to index
        %get3A_920 = arith.index_cast %add3A_139 : i32 to index
        %get3A_921 = arith.constant 688 : index
        %get3A_922 = tpu.vector_load %arg9[%get3A_919, %get3A_920, %get3A_921] {strides = array<i32>} : memref<2x32x768xf32, #tpu.memory_space<vmem>>, vector<1x1x16xf32>,
        %get3A_923 = vector.shape_cast %get3A_922 : vector<1x1x16xf32> to vector<16xf32>
        %add3A_924 = arith.addf %mul3A_918, %get3A_923 : vector<16xf32>
        %swap3A_925 = arith.index_cast %rem3A_79 : i32 to index
        %swap3A_926 = arith.index_cast %add3A_139 : i32 to index
        %swap3A_927 = arith.constant 688 : index
        %swap3A_928 = tpu.vector_load %arg9[%swap3A_925, %swap3A_926, %swap3A_927] {strides = array<i32>} : memref<2x32x768xf32, #tpu.memory_space<vmem>>, vector<1x1x16xf32>,
        %swap3A_929 = vector.shape_cast %swap3A_928 : vector<1x1x16xf32> to vector<16xf32>
        %swap3A_930 = vector.shape_cast %add3A_924 : vector<16xf32> to vector<1x1x16xf32>
        tpu.vector_store %arg9[%swap3A_925, %swap3A_926, %swap3A_927], %swap3A_930 {strides = array<i32>} : memref<2x32x768xf32, #tpu.memory_space<vmem>>, vector<1x1x16xf32>,
        %get3A_931 = arith.index_cast %rem3A_79 : i32 to index
        %get3A_932 = arith.index_cast %add3A_139 : i32 to index
        %get3A_933 = arith.constant 704 : index
        %get3A_934 = tpu.vector_load %arg8[%get3A_931, %get3A_932, %get3A_933] {strides = array<i32>} : memref<2x32x768xf32, #tpu.memory_space<vmem>>, vector<1x1x16xf32>,
        %get3A_935 = vector.shape_cast %get3A_934 : vector<1x1x16xf32> to vector<16xf32>
        %mul3A_936 = arith.mulf %get3A_935, %get3A_4 : vector<16xf32>
        %get3A_937 = arith.index_cast %rem3A_79 : i32 to index
        %get3A_938 = arith.index_cast %add3A_139 : i32 to index
        %get3A_939 = arith.constant 704 : index
        %get3A_940 = tpu.vector_load %arg9[%get3A_937, %get3A_938, %get3A_939] {strides = array<i32>} : memref<2x32x768xf32, #tpu.memory_space<vmem>>, vector<1x1x16xf32>,
        %get3A_941 = vector.shape_cast %get3A_940 : vector<1x1x16xf32> to vector<16xf32>
        %add3A_942 = arith.addf %mul3A_936, %get3A_941 : vector<16xf32>
        %swap3A_943 = arith.index_cast %rem3A_79 : i32 to index
        %swap3A_944 = arith.index_cast %add3A_139 : i32 to index
        %swap3A_945 = arith.constant 704 : index
        %swap3A_946 = tpu.vector_load %arg9[%swap3A_943, %swap3A_944, %swap3A_945] {strides = array<i32>} : memref<2x32x768xf32, #tpu.memory_space<vmem>>, vector<1x1x16xf32>,
        %swap3A_947 = vector.shape_cast %swap3A_946 : vector<1x1x16xf32> to vector<16xf32>
        %swap3A_948 = vector.shape_cast %add3A_942 : vector<16xf32> to vector<1x1x16xf32>
        tpu.vector_store %arg9[%swap3A_943, %swap3A_944, %swap3A_945], %swap3A_948 {strides = array<i32>} : memref<2x32x768xf32, #tpu.memory_space<vmem>>, vector<1x1x16xf32>,
        %get3A_949 = arith.index_cast %rem3A_79 : i32 to index
        %get3A_950 = arith.index_cast %add3A_139 : i32 to index
        %get3A_951 = arith.constant 720 : index
        %get3A_952 = tpu.vector_load %arg8[%get3A_949, %get3A_950, %get3A_951] {strides = array<i32>} : memref<2x32x768xf32, #tpu.memory_space<vmem>>, vector<1x1x16xf32>,
        %get3A_953 = vector.shape_cast %get3A_952 : vector<1x1x16xf32> to vector<16xf32>
        %mul3A_954 = arith.mulf %get3A_953, %get3A_4 : vector<16xf32>
        %get3A_955 = arith.index_cast %rem3A_79 : i32 to index
        %get3A_956 = arith.index_cast %add3A_139 : i32 to index
        %get3A_957 = arith.constant 720 : index
        %get3A_958 = tpu.vector_load %arg9[%get3A_955, %get3A_956, %get3A_957] {strides = array<i32>} : memref<2x32x768xf32, #tpu.memory_space<vmem>>, vector<1x1x16xf32>,
        %get3A_959 = vector.shape_cast %get3A_958 : vector<1x1x16xf32> to vector<16xf32>
        %add3A_960 = arith.addf %mul3A_954, %get3A_959 : vector<16xf32>
        %swap3A_961 = arith.index_cast %rem3A_79 : i32 to index
        %swap3A_962 = arith.index_cast %add3A_139 : i32 to index
        %swap3A_963 = arith.constant 720 : index
        %swap3A_964 = tpu.vector_load %arg9[%swap3A_961, %swap3A_962, %swap3A_963] {strides = array<i32>} : memref<2x32x768xf32, #tpu.memory_space<vmem>>, vector<1x1x16xf32>,
        %swap3A_965 = vector.shape_cast %swap3A_964 : vector<1x1x16xf32> to vector<16xf32>
        %swap3A_966 = vector.shape_cast %add3A_960 : vector<16xf32> to vector<1x1x16xf32>
        tpu.vector_store %arg9[%swap3A_961, %swap3A_962, %swap3A_963], %swap3A_966 {strides = array<i32>} : memref<2x32x768xf32, #tpu.memory_space<vmem>>, vector<1x1x16xf32>,
        %get3A_967 = arith.index_cast %rem3A_79 : i32 to index
        %get3A_968 = arith.index_cast %add3A_139 : i32 to index
        %get3A_969 = arith.constant 736 : index
        %get3A_970 = tpu.vector_load %arg8[%get3A_967, %get3A_968, %get3A_969] {strides = array<i32>} : memref<2x32x768xf32, #tpu.memory_space<vmem>>, vector<1x1x16xf32>,
        %get3A_971 = vector.shape_cast %get3A_970 : vector<1x1x16xf32> to vector<16xf32>
        %mul3A_972 = arith.mulf %get3A_971, %get3A_4 : vector<16xf32>
        %get3A_973 = arith.index_cast %rem3A_79 : i32 to index
        %get3A_974 = arith.index_cast %add3A_139 : i32 to index
        %get3A_975 = arith.constant 736 : index
        %get3A_976 = tpu.vector_load %arg9[%get3A_973, %get3A_974, %get3A_975] {strides = array<i32>} : memref<2x32x768xf32, #tpu.memory_space<vmem>>, vector<1x1x16xf32>,
        %get3A_977 = vector.shape_cast %get3A_976 : vector<1x1x16xf32> to vector<16xf32>
        %add3A_978 = arith.addf %mul3A_972, %get3A_977 : vector<16xf32>
        %swap3A_979 = arith.index_cast %rem3A_79 : i32 to index
        %swap3A_980 = arith.index_cast %add3A_139 : i32 to index
        %swap3A_981 = arith.constant 736 : index
        %swap3A_982 = tpu.vector_load %arg9[%swap3A_979, %swap3A_980, %swap3A_981] {strides = array<i32>} : memref<2x32x768xf32, #tpu.memory_space<vmem>>, vector<1x1x16xf32>,
        %swap3A_983 = vector.shape_cast %swap3A_982 : vector<1x1x16xf32> to vector<16xf32>
        %swap3A_984 = vector.shape_cast %add3A_978 : vector<16xf32> to vector<1x1x16xf32>
        tpu.vector_store %arg9[%swap3A_979, %swap3A_980, %swap3A_981], %swap3A_984 {strides = array<i32>} : memref<2x32x768xf32, #tpu.memory_space<vmem>>, vector<1x1x16xf32>,
        %get3A_985 = arith.index_cast %rem3A_79 : i32 to index
        %get3A_986 = arith.index_cast %add3A_139 : i32 to index
        %get3A_987 = arith.constant 752 : index
        %get3A_988 = tpu.vector_load %arg8[%get3A_985, %get3A_986, %get3A_987] {strides = array<i32>} : memref<2x32x768xf32, #tpu.memory_space<vmem>>, vector<1x1x16xf32>,
        %get3A_989 = vector.shape_cast %get3A_988 : vector<1x1x16xf32> to vector<16xf32>
        %mul3A_990 = arith.mulf %get3A_989, %get3A_4 : vector<16xf32>
        %get3A_991 = arith.index_cast %rem3A_79 : i32 to index
        %get3A_992 = arith.index_cast %add3A_139 : i32 to index
        %get3A_993 = arith.constant 752 : index
        %get3A_994 = tpu.vector_load %arg9[%get3A_991, %get3A_992, %get3A_993] {strides = array<i32>} : memref<2x32x768xf32, #tpu.memory_space<vmem>>, vector<1x1x16xf32>,
        %get3A_995 = vector.shape_cast %get3A_994 : vector<1x1x16xf32> to vector<16xf32>
        %add3A_996 = arith.addf %mul3A_990, %get3A_995 : vector<16xf32>
        %swap3A_997 = arith.index_cast %rem3A_79 : i32 to index
        %swap3A_998 = arith.index_cast %add3A_139 : i32 to index
        %swap3A_999 = arith.constant 752 : index
        %swap3A_1000 = tpu.vector_load %arg9[%swap3A_997, %swap3A_998, %swap3A_999] {strides = array<i32>} : memref<2x32x768xf32, #tpu.memory_space<vmem>>, vector<1x1x16xf32>,
        %swap3A_1001 = vector.shape_cast %swap3A_1000 : vector<1x1x16xf32> to vector<16xf32>
        %swap3A_1002 = vector.shape_cast %add3A_996 : vector<16xf32> to vector<1x1x16xf32>
        tpu.vector_store %arg9[%swap3A_997, %swap3A_998, %swap3A_999], %swap3A_1002 {strides = array<i32>} : memref<2x32x768xf32, #tpu.memory_space<vmem>>, vector<1x1x16xf32>,
      }
      %scan3A_117 = arith.constant 32 : i32
      %mul3A_118 = arith.constant 32 : i32
      %mul3A_119 = arith.muli %add3A_78, %mul3A_118 : i32
      %add3A_120 = arith.addi %mul3A_2, %mul3A_119 : i32
      %dma_start3A_121 = arith.constant 0 : i32
      %dma_start3A_122 = arith.constant 0 : i32
      %dma_start3A_123 = tpu.memref_slice %arg9[%rem3A_79, %dma_start3A_121, %dma_start3A_122] : memref<2x32x768xf32, #tpu.memory_space<vmem>> -> memref<1x32x768xf32, #tpu.memory_space<vmem>>
      %dma_start3A_124 = tpu.memref_squeeze %dma_start3A_123 : memref<1x32x768xf32, #tpu.memory_space<vmem>> -> memref<32x768xf32, #tpu.memory_space<vmem>>
      %dma_start3A_125 = arith.constant 0 : i32
      %dma_start3A_126 = tpu.memref_slice %arg6[%add3A_120, %dma_start3A_125] : memref<32768x768xf32, #tpu.memory_space<hbm>> -> memref<32x768xf32, #tpu.memory_space<hbm>>
      %dma_start3A_127 = tpu.memref_slice %arg13[%rem3A_79] : memref<2x!tpu.dma_semaphore, #tpu.memory_space<semaphore_mem>> -> memref<1x!tpu.dma_semaphore, #tpu.memory_space<semaphore_mem>>
      %dma_start3A_128 = tpu.memref_squeeze %dma_start3A_127 : memref<1x!tpu.dma_semaphore, #tpu.memory_space<semaphore_mem>> -> memref<!tpu.dma_semaphore, #tpu.memory_space<semaphore_mem>>
      %dma_start3A_129 = arith.constant 0 : i32
      %dma_start3A_130 = tpu.memref_slice %arg6[%add3A_120, %dma_start3A_129] : memref<32768x768xf32, #tpu.memory_space<hbm>> -> memref<32x768xf32, #tpu.memory_space<hbm>>
      %dma_start3A_131 = arith.constant 0 : i32
      %dma_start3A_132 = arith.constant 0 : i32
      %dma_start3A_133 = tpu.memref_slice %arg9[%rem3A_79, %dma_start3A_131, %dma_start3A_132] : memref<2x32x768xf32, #tpu.memory_space<vmem>> -> memref<1x32x768xf32, #tpu.memory_space<vmem>>
      %dma_start3A_134 = tpu.memref_squeeze %dma_start3A_133 : memref<1x32x768xf32, #tpu.memory_space<vmem>> -> memref<32x768xf32, #tpu.memory_space<vmem>>
      tpu.enqueue_dma source(%dma_start3A_134 : memref<32x768xf32, #tpu.memory_space<vmem>>) target(%dma_start3A_130 : memref<32x768xf32, #tpu.memory_space<hbm>>) target_semaphore(%dma_start3A_128 : memref<!tpu.dma_semaphore, #tpu.memory_space<semaphore_mem>>)
    }
    %scan3A_38 = arith.constant 32 : i32
    %dma_wait3A = arith.constant 0 : i32
    %dma_wait3A_39 = arith.constant 0 : i32
    %dma_wait3A_40 = arith.constant 0 : i32
    %dma_wait3A_41 = arith.constant 0 : i32
    %dma_wait3A_42 = tpu.memref_slice %arg9[%dma_wait3A, %dma_wait3A_40, %dma_wait3A_41] : memref<2x32x768xf32, #tpu.memory_space<vmem>> -> memref<1x32x768xf32, #tpu.memory_space<vmem>>
    %dma_wait3A_43 = tpu.memref_squeeze %dma_wait3A_42 : memref<1x32x768xf32, #tpu.memory_space<vmem>> -> memref<32x768xf32, #tpu.memory_space<vmem>>
    %dma_wait3A_44 = arith.constant 0 : i32
    %dma_wait3A_45 = arith.constant 0 : i32
    %dma_wait3A_46 = tpu.memref_slice %arg6[%dma_wait3A_44, %dma_wait3A_45] : memref<32768x768xf32, #tpu.memory_space<hbm>> -> memref<32x768xf32, #tpu.memory_space<hbm>>
    %dma_wait3A_47 = tpu.memref_slice %arg13[%dma_wait3A_39] : memref<2x!tpu.dma_semaphore, #tpu.memory_space<semaphore_mem>> -> memref<1x!tpu.dma_semaphore, #tpu.memory_space<semaphore_mem>>
    %dma_wait3A_48 = tpu.memref_squeeze %dma_wait3A_47 : memref<1x!tpu.dma_semaphore, #tpu.memory_space<semaphore_mem>> -> memref<!tpu.dma_semaphore, #tpu.memory_space<semaphore_mem>>
    %dma_wait3A_49 = arith.constant 0 : i32
    %dma_wait3A_50 = arith.constant 0 : i32
    %dma_wait3A_51 = tpu.memref_slice %arg6[%dma_wait3A_49, %dma_wait3A_50] : memref<32768x768xf32, #tpu.memory_space<hbm>> -> memref<32x768xf32, #tpu.memory_space<hbm>>
    %dma_wait3A_52 = arith.constant 0 : i32
    %dma_wait3A_53 = arith.constant 0 : i32
    %dma_wait3A_54 = tpu.memref_slice %arg9[%dma_wait3A, %dma_wait3A_52, %dma_wait3A_53] : memref<2x32x768xf32, #tpu.memory_space<vmem>> -> memref<1x32x768xf32, #tpu.memory_space<vmem>>
    %dma_wait3A_55 = tpu.memref_squeeze %dma_wait3A_54 : memref<1x32x768xf32, #tpu.memory_space<vmem>> -> memref<32x768xf32, #tpu.memory_space<vmem>>
    tpu.wait_dma2 semaphore(%dma_wait3A_48 : memref<!tpu.dma_semaphore, #tpu.memory_space<semaphore_mem>>) src(%dma_wait3A_55 : memref<32x768xf32, #tpu.memory_space<vmem>>) dst(%dma_wait3A_51 : memref<32x768xf32, #tpu.memory_space<hbm>>)
    %dma_wait3A_56 = arith.constant 1 : i32
    %dma_wait3A_57 = arith.constant 1 : i32
    %dma_wait3A_58 = arith.constant 0 : i32
    %dma_wait3A_59 = arith.constant 0 : i32
    %dma_wait3A_60 = tpu.memref_slice %arg9[%dma_wait3A_56, %dma_wait3A_58, %dma_wait3A_59] : memref<2x32x768xf32, #tpu.memory_space<vmem>> -> memref<1x32x768xf32, #tpu.memory_space<vmem>>
    %dma_wait3A_61 = tpu.memref_squeeze %dma_wait3A_60 : memref<1x32x768xf32, #tpu.memory_space<vmem>> -> memref<32x768xf32, #tpu.memory_space<vmem>>
    %dma_wait3A_62 = arith.constant 0 : i32
    %dma_wait3A_63 = arith.constant 0 : i32
    %dma_wait3A_64 = tpu.memref_slice %arg6[%dma_wait3A_62, %dma_wait3A_63] : memref<32768x768xf32, #tpu.memory_space<hbm>> -> memref<32x768xf32, #tpu.memory_space<hbm>>
    %dma_wait3A_65 = tpu.memref_slice %arg13[%dma_wait3A_57] : memref<2x!tpu.dma_semaphore, #tpu.memory_space<semaphore_mem>> -> memref<1x!tpu.dma_semaphore, #tpu.memory_space<semaphore_mem>>
    %dma_wait3A_66 = tpu.memref_squeeze %dma_wait3A_65 : memref<1x!tpu.dma_semaphore, #tpu.memory_space<semaphore_mem>> -> memref<!tpu.dma_semaphore, #tpu.memory_space<semaphore_mem>>
    %dma_wait3A_67 = arith.constant 0 : i32
    %dma_wait3A_68 = arith.constant 0 : i32
    %dma_wait3A_69 = tpu.memref_slice %arg6[%dma_wait3A_67, %dma_wait3A_68] : memref<32768x768xf32, #tpu.memory_space<hbm>> -> memref<32x768xf32, #tpu.memory_space<hbm>>
    %dma_wait3A_70 = arith.constant 0 : i32
    %dma_wait3A_71 = arith.constant 0 : i32
    %dma_wait3A_72 = tpu.memref_slice %arg9[%dma_wait3A_56, %dma_wait3A_70, %dma_wait3A_71] : memref<2x32x768xf32, #tpu.memory_space<vmem>> -> memref<1x32x768xf32, #tpu.memory_space<vmem>>
    %dma_wait3A_73 = tpu.memref_squeeze %dma_wait3A_72 : memref<1x32x768xf32, #tpu.memory_space<vmem>> -> memref<32x768xf32, #tpu.memory_space<vmem>>
    tpu.wait_dma2 semaphore(%dma_wait3A_66 : memref<!tpu.dma_semaphore, #tpu.memory_space<semaphore_mem>>) src(%dma_wait3A_73 : memref<32x768xf32, #tpu.memory_space<vmem>>) dst(%dma_wait3A_69 : memref<32x768xf32, #tpu.memory_space<hbm>>)
    return
  }
}

</mosaic_0001>

<sc_bundles>
// kernel: _sc_call.3.cloned.1.call-start
scs
__scs_entry_jumppad:
0x0: {  	(pc) =	sbr.rel $0x88, $3  }
0x1: {  	(tag) =	ssettag $0x0;
	lr =	simm.s32 $0x1  }
0x2: {  	[smem:$0x3F9D] =	sst lr;
	_ =	strace $0xD0000000  }
0x3: {  	_ = 	snop  }
0x4: {  	_ = 	snop  }
0x5: {  	_ = 	snop  }
0x6: {  	_ = 	snop  }
0x7: {  	_ = 	snop  }
__scs_overlays_trampoline_lowered:
0x8: {  	[smem:$0x3FAC] =	sst s0  }
0x9: {  	[smem:$0x3FAD] =	sst s1  }
0xa: {  	[smem:$0x3FAE] =	sst s2  }
0xb: {  	[smem:$0x3FAF] =	sst s3  }
0xc: {  	[smem:$0x3FB0] =	sst s4  }
0xd: {  	[smem:$0x3FB1] =	sst s5  }
0xe: {  	[smem:$0x3FB2] =	sst s6  }
0xf: {  	[smem:$0x3FB3] =	sst s7  }
0x10: {  	[smem:$0x3FB4] =	sst s8  }
0x11: {  	[smem:$0x3FB5] =	sst s9;
	s0 =	simm.s32 @!p0 $0x0  }
0x12: {  	s1 =	sld [smem:$0x3F9B];
	s0 =	simm.s32 @p0 $0x1  }
0x13: {  	[smem:$0x3FB6] =	sst s0;
	s0 =	simm.s32 @!p1 $0x0  }
0x14: {  	s2 =	sld [smem:$0x3F9A];
	s0 =	simm.s32 @p1 $0x1  }
0x15: {  	[smem:$0x3FB7] =	sst s0;
	s0 =	simm.s32 @!p2 $0x0  }
0x16: {  	s3 =	sld [smem:$0x3FDB];
	s0 =	simm.s32 @p2 $0x1  }
0x17: {  	s4 =	simm.s32 $0x1BF5;
	[smem:$0x3FB9] =	sst s0  }
0x18: {  	s0 =	sld [smem:$0x3F9C];
	_ =	swait.ge [sflag:s4], $0x0  }
0x19: {  	s7 =	sld [smem:$0x3F9D]  }
0x1a: {  	s8 =	sadd.s32 $0xFFFFE003, lr  }
0x1b: {  	s9 =	sadd.s32 $0xFFFFFEF7, lr;
	s5 =	simm.s32 $0xFFFFFFFF;
	p2 =	slt.u32 s8, $0xFFFFF086  }
0x1c: {  	p1 =	slt.u32 s9, $0xF7A;
	s5 =	simm.s32 @!p2 $0x0  }
0x1d: {  	s5 =	simm.s32 @p1 $0x1;
	p0 =	seq.s32 s7, s2  }
0x1e: {  	s7 =	smul.u32 @!p0 $0xF7A, s2;
	p2 =	seq.s32 @!p0 s5, $0x0  }
0x1f: {  	s9 =	smul.u32 $0xF7A, s1;
	s8 =	simm.s32 @!p0 $0x1BF5;
	p2 =	por !p2, p0  }
0x20: {  	[sflag:s8] =	ssyncset.s32 @!p0 $0xFFFFF086;
	s6 =	sadd.s32 @!p0 s3, s7;
	s7 =	simm.s32 @!p0 $0x108  }
0x21: {  	s3 =	sadd.s32 s3, s9;
	s6 =	sadd.s32 @!p0 $0x88, s6;
	s7 =	simm.s32 @p2 $0x1082  }
0x22: {  	[simem:s7], [sflag:s8] =	dma.local @!p0 [hbm:s6], $0xF7A  }
0x23: {  	s9 =	sor.u32 $0xD0000000, s2;
	s6 =	simm.s32 $0x108;
	_ =	swait.ge @!p0 [sflag:s8], $0x0  }
0x24: {  	s3 =	sadd.s32 $0x88, s3;
	s6 =	simm.s32 @!p1 $0x1082;
	[sflag:s4] =	ssyncset.s32 $0xFFFFF086  }
0x25: {  	[simem:s6], [sflag:s4] =	dma.local [hbm:s3], $0xF7A  }
0x26: {  	[smem:$0x3F9D] =	sst s1;
	(tag) =	ssettag s2;
	_ =	strace s9  }
0x27: {  	s1 =	sld [smem:$0x3FAD]  }
0x28: {  	s2 =	sld [smem:$0x3FAE]  }
0x29: {  	s4 =	sld [smem:$0x3FB0]  }
0x2a: {  	p0 =	seq.s32 s5, $0x0;
	s5 =	sld [smem:$0x3FB1]  }
0x2b: {  	s6 =	sld [smem:$0x3FB2]  }
0x2c: {  	s7 =	sld [smem:$0x3FB3]  }
0x2d: {  	s3 =	simm.s32 $0x108;
	s8 =	sld [smem:$0x3FB4]  }
0x2e: {  	s3 =	simm.s32 @!p0 $0x1082;
	s9 =	sld [smem:$0x3FB5]  }
0x2f: {  	lr =	sadd.s32 s0, s3;
	s0 =	sld [smem:$0x3FAC]  }
0x30: {  	s3 =	sld [smem:$0x3FAF]  }
0x31: {  	[smem:$0x3FB8] =	sst s10  }
0x32: {  	s10 =	sld [smem:$0x3FB6];
	_ =	sdelay $0x3  }
0x33: {  	p0 =	seq.s32 s10, $0x1;
	s10 =	sld [smem:$0x3FB8];
	_ =	sdelay $0x3  }
0x34: {  	[smem:$0x3FB8] =	sst s10  }
0x35: {  	s10 =	sld [smem:$0x3FB7];
	_ =	sdelay $0x3  }
0x36: {  	p1 =	seq.s32 s10, $0x1;
	s10 =	sld [smem:$0x3FB8];
	_ =	sdelay $0x3  }
0x37: {  	[smem:$0x3FB8] =	sst s10  }
0x38: {  	s10 =	sld [smem:$0x3FB9]  }
0x39: {  	_ = 	snop;
	(pc) =	sbr.ind lr, $3  }
0x3a: {  	_ = 	snop  }
0x3b: {  	_ = 	snop  }
0x3c: {  	p2 =	seq.s32 s10, $0x1;
	s10 =	sld [smem:$0x3FB8]  }
0x3d: {  	_ =	shalt  }
0x3e: {  	_ =	shalt  }
0x3f: {  	_ =	shalt  }
0x40: {  	_ =	shalt  }
0x41: {  	_ =	shalt  }
0x42: {  	_ =	shalt  }
0x43: {  	_ =	shalt  }
0x44: {  	_ =	shalt  }
0x45: {  	_ =	shalt  }
0x46: {  	_ =	shalt  }
0x47: {  	_ =	shalt  }
0x48: {  	_ =	shalt  }
0x49: {  	_ =	shalt  }
0x4a: {  	_ =	shalt  }
0x4b: {  	_ =	shalt  }
0x4c: {  	_ =	shalt  }
0x4d: {  	_ =	shalt  }
0x4e: {  	_ =	shalt  }
0x4f: {  	_ =	shalt  }
0x50: {  	_ =	shalt  }
0x51: {  	_ =	shalt  }
0x52: {  	_ =	shalt  }
0x53: {  	_ =	shalt  }
0x54: {  	_ =	shalt  }
0x55: {  	_ =	shalt  }
0x56: {  	_ =	shalt  }
0x57: {  	_ =	shalt  }
0x58: {  	_ =	shalt  }
0x59: {  	_ =	shalt  }
0x5a: {  	_ =	shalt  }
0x5b: {  	_ =	shalt  }
0x5c: {  	_ =	shalt  }
0x5d: {  	_ =	shalt  }
0x5e: {  	_ =	shalt  }
0x5f: {  	_ =	shalt  }
0x60: {  	_ =	shalt  }
0x61: {  	_ =	shalt  }
0x62: {  	_ =	shalt  }
0x63: {  	_ =	shalt  }
0x64: {  	_ =	shalt  }
0x65: {  	_ =	shalt  }
0x66: {  	_ =	shalt  }
0x67: {  	_ =	shalt  }
0x68: {  	_ =	shalt  }
0x69: {  	_ =	shalt  }
0x6a: {  	_ =	shalt  }
0x6b: {  	_ =	shalt  }
0x6c: {  	_ =	shalt  }
0x6d: {  	_ =	shalt  }
0x6e: {  	_ =	shalt  }
0x6f: {  	_ =	shalt  }
0x70: {  	_ =	shalt  }
0x71: {  	_ =	shalt  }
0x72: {  	_ =	shalt  }
0x73: {  	_ =	shalt  }
0x74: {  	_ =	shalt  }
0x75: {  	_ =	shalt  }
0x76: {  	_ =	shalt  }
0x77: {  	_ =	shalt  }
0x78: {  	_ =	shalt  }
0x79: {  	_ =	shalt  }
0x7a: {  	_ =	shalt  }
0x7b: {  	_ =	shalt  }
0x7c: {  	_ =	shalt  }
0x7d: {  	_ =	shalt  }
0x7e: {  	_ =	shalt  }
0x7f: {  	_ =	shalt  }
0x80: {  	_ =	shalt  }
0x81: {  	_ =	shalt  }
0x82: {  	_ =	shalt  }
0x83: {  	_ =	shalt  }
0x84: {  	_ =	shalt  }
0x85: {  	_ =	shalt  }
0x86: {  	_ =	shalt  }
0x87: {  	_ =	shalt  }
.Lfunc_end0:
.L_simem_size_0:
called_computation_lowered:
.L_overlay_start_0:
0x88: {  	s2 =	sld [smem:$0x3FD9]  }
0x89: {  	s3 =	sld [smem:$0x3FFE];
	_ =	sdelay $0x1  }
0x8a: {  	s1 =	srdreg.scid  }
0x8b: {  	s0 =	sand.u32 $0x1, s1  }
0x8c: {  	s18 =	sshll.u32 s0, $0xA;
	s2 =	sadd.s32 s3, s2  }
0x8d: {  	s2 =	sadd.s32 s2, s18  }
0x8e: {  	[smem:$0x3FC4] =	sst s2  }
0x8f: {  	_ = 	snop  }
0x90: {  	s2 =	sld [smem:$0x3FC9]  }
0x91: {  	s19 =	sld [smem:$0x3FC8]  }
0x92: {  	s4 =	sld [smem:$0x3FC7]  }
0x93: {  	s5 =	sld [smem:$0x3FC6]  }
0x94: {  	s6 =	sld [smem:$0x3FD0];
	(tm) =	ssettm $0x1  }
0x95: {  	s7 =	sld [smem:$0x3FFB];
	_ =	sdelay $0x3  }
0x96: {  	_ =	strace s7  }
0x97: {  	s7 =	sld [smem:$0x3FFC];
	_ =	sdelay $0x3  }
0x98: {  	_ =	strace s7  }
0x99: {  	s7 =	sld [smem:$0x3FFD];
	_ =	sdelay $0x3  }
0x9a: {  	_ =	strace s7  }
0x9b: {  	_ =	strace $0x8FFFFFFF  }
0x9c: {  	s20 =	sld [smem:$0x3FDB];
	_ =	sdelay $0x1  }
0x9d: {  	s8 =	simm.s32 $_scs_section_size  }
0x9e: {  	s9 =	simm.s32 $_size__tile_overlayer_lowered;
	s10 =	simm.s32 $_tile_overlayer_lowered  }
0x9f: {  	s23 =	simm.s32 $0x1BFF;
	s22 =	sshll.u32 s10, $0x1;
	s7 =	sadd.s32 s8, s20  }
0xa0: {  	s11 =	simm.s32 $0x0;
	s21 =	sshll.u32 s9, $0x1;
	s9 =	sadd.s32 s22, s7  }
0xa1: {  	[timem:s11], [sflag:s23] =	dma.local [hbm:s9], s21  }
0xa2: {  	_ =	swait.ge [sflag:s23], s21  }
0xa3: {  	s8 =	ssub.s32 $0x0, s21;
	[sflag:s23] =	ssyncset.done $0x0  }
0xa4: {  	[sflag:s23] =	ssyncadd.s32 s8;
	_ =	sdelay $0x1  }
0xa5: {  	s24 =	simm.s32 $0x1B8B  }
0xa6: {  	_ =	swait.ge [sflag:s24], $0x1  }
0xa7: {  	[sflag:s24] =	ssyncset.done $0x0  }
0xa8: {  	s25 =	simm.s32 $0x1B8E;
	[sflag:s24] =	ssyncadd.s32 $0xFFFFFFFF  }
0xa9: {  	s26 =	simm.s32 $execute0_lowered;
	[smem:$0x3FD2] =	sst s25  }
0xaa: {  	s8 =	sshll.u32 s26, $0x1;
	_ =	strace $0x80000046;
	[dreg:$0x1] =	wrdreg $0xFFFFFFFF  }
0xab: {  	s28 =	simm.s32 $_size_execute0_lowered;
	s7 =	sadd.s32 s7, s8;
	[dreg:$0x0] =	wrdreg $0x0  }
0xac: {  	s8 =	sshll.u32 s28, $0x1;
	[dreg:$0x2] =	wrdreg s7  }
0xad: {  	[dreg:$0x3] =	wrdreg s8  }
0xae: {  	[dreg:$0x4] =	wrdreg $0xC0  }
0xaf: {  	_ =	task [dreg:s11], $0x5FFFF  }
0xb0: {  	[dreg:$0x1] =	wrdreg $0xFFFFFFFF  }
0xb1: {  	[dreg:$0x0] =	wrdreg $0x60  }
0xb2: {  	[dreg:$0x2] =	wrdreg s2  }
0xb3: {  	[dreg:$0x3] =	wrdreg s19  }
0xb4: {  	[dreg:$0x4] =	wrdreg s4  }
0xb5: {  	[dreg:$0x5] =	wrdreg s5  }
0xb6: {  	[dreg:$0x6] =	wrdreg s6  }
0xb7: {  	[dreg:$0x7] =	wrdreg $0x9  }
0xb8: {  	_ =	task.clear_ibuf [dreg:s11], $0x8FFFF;
	_ =	strace $0x90000046  }
0xb9: {  	s29 =	simm.s32 $0x9;
	_ =	strace $0x80000048  }
0xba: {  	_ =	swait.ge [sflag:s29], $0x1  }
0xbb: {  	[sflag:s29] =	ssyncadd.s32 $0xFFFFFFFF  }
0xbc: {  	_ =	strace $0x90000048  }
0xbd: {  	_ =	sfence  }
0xbe: {  	s30 =	sld [smem:$0x0];
	_ =	sdelay $0x2  }
0xbf: {  	s31 =	sshll.u32 s1, $0xD;
	s1 =	sshrl.u32 s1, $0x2  }
0xc0: {  	s3 =	sand.u32 $0x4000, s31;
	s1 =	sadd.s32 s1, s30  }
0xc1: {  	s0 =	sor.u32 s3, s0;
	s1 =	sshll.u32 s1, $0x11  }
0xc2: {  	s0 =	sor.u32 s1, s0  }
0xc3: {  	s0 =	sadd.s32 $0x8F2B, s0  }
0xc4: {  	[sflag:s0] =	ssyncadd.remote.s32 $0x1  }
0xc5: {  	_ =	sfence.sel $0xFFFF  }
0xc6: {  	[dreg:$0x0] =	wrdreg $0xFFFFFFFF;
	(pc) =	sbr.abs _section_cstart, $3  }
0xc7: {  	[dreg:$0x1] =	wrdreg $0xFFFFFFFF  }
0xc8: {  	_ =	task.clear_ibuf [dreg:s11], $0x2FFFF;
	_ =	strace $0x9FFFFFFF  }
0xc9: {  	(tm) =	ssettm $0x7FFFFFFF  }
tec
execute0_lowered:
.L_overlay_start_1:
0x0: {  	(tag) =	ssettag $0x1  }
0x1: {  	s0 =	rddreg [dreg:$0x0]  }
0x2: {  	s1 =	rddreg [dreg:$0x1]  }
0x3: {  	s2 =	rddreg [dreg:$0x2]  }
0x4: {  	s3 =	srdreg.scid;
	s4 =	stileid.u32  }
0x5: {  	s5 =	rddreg [dreg:$0x4];
	s6 =	simm.s32 $0x0;
	s13 =	simm.s32 $0x7  }
0x6: {  	s20 =	simm.s32 $0x2C00;
	s21 =	simm.s32 $0x3400;
	s22 =	simm.s32 $0x3C00  }
0x7: {  	s23 =	simm.s32 $0x4400;
	s24 =	simm.s32 $0x4C00;
	s25 =	simm.s32 $0x5400  }
0x8: {  	s26 =	simm.s32 $0x5C00;
	s28 =	simm.s32 $0xC400;
	s3 =	sand.u32 $0x1, s3  }
0x9: {  	s29 =	simm.s32 $0x5;
	s4 =	sshll.u32 s4, $0xB;
	s7 =	sshll.u32 s3, $0xA  }
0xa: {  	s30 =	simm.s32 $0x6;
	s31 =	simm.s32 $0x0;
	s7 =	sor.u32 s7, s4  }
0xb: {  	[smem:$0x7FF] =	sst s6;
	s3 =	ssub.s32 $0x2, s3;
	s4 =	sshrl.u32 s7, $0x3  }
0xc: {  	v2 =	vlaneseq.u32;
	s9 =	sadd.s32 $0x100, s2;
	s8 =	sshrl.u32 s3, $0x1;
	s11 =	smul.u32 $0x300, s4  }
0xd: {  	vm0 =	vmmov $0xffff;
	s10 =	sadd.s32 $0x200, s2;
	v1 =	vshrl.u32 v2, $0x3;
	_ =	strace $0x80000047;
	s3 =	ssub.s32 s3, s8  }
0xe: {  	v0 =	vand.u32 $0x7, v2;
	v2 =	vor.u32 $0x8, v2;
	v1 =	vmul.u32 $0x8, v1;
	s8 =	sadd.s32 s1, s4;
	s12 =	smax.u32 s3, $0x1;
	s11 =	sadd.s32 s0, s11  }
.LBB2_1:
0xf: {  	[tilespmem:s6], [sflag:$0x7] =	stream.linear.gather [hbm4b:s8+s6], $0x400, $0x38;
	[tilespmem:$0x18480] =	vst v63  }
0x10: {  	_ =	swait.ge [sflag:s13], $0x400  }
0x11: {  	[sflag:s13] =	ssyncset.done $0x0  }
0x12: {  	[sflag:s13] =	ssyncadd.s32 $0xFFFFFC00  }
0x13: {  	s3 =	simm.s32 $0x18400;
	s1 =	rddreg [dreg:$0x3]  }
0x14: {  	[tilespmem:s3], [sflag:$0x7] =	stream.linear.gather [hbm4b:s1+s6], $0x80, $0x38;
	[tilespmem:$0x18480] =	vst v63  }
0x15: {  	_ =	swait.ge [sflag:s13], $0x80  }
0x16: {  	[sflag:s13] =	ssyncset.done $0x0  }
0x17: {  	[sflag:s13] =	ssyncadd.s32 $0xFFFFFF80  }
0x18: {  	v3 =	vld [tilespmem:$0x0];
	_ =	sdelay $0x4  }
0x19: {  	v4 =	vshrl.u32 v3, $0x3  }
0x1a: {  	v4 =	vmul.u32 $0x30, v4  }
0x1b: {  	v3 =	vand.u32 $0x7, v3  }
0x1c: {  	v4 =	vor.u32 v3, v4  }
0x1d: {  	v3 =	vperm.xlane v4, v0;
	_ =	sdelay $0x1  }
0x1e: {  	v5 =	vadd.s32 v1, v3;
	_ =	sdelay $0x3  }
0x1f: {  	s15 =	simm.s32 $0x400;
	v4 =	vperm.xlane v4, v2  }
0x20: {  	v3 =	vld [tilespmem:$0x18400];
	[tilespmem:s15], [sflag:$0x1] =	stream.indirect_vreg.gather [hbm4b:s2+s6], $0x80, v5, vm0, $0xb8  }
0x21: {  	s16 =	simm.s32 $0xC00;
	v4 =	vadd.s32 v1, v4  }
0x22: {  	[tilespmem:s16], [sflag:$0x1] =	stream.indirect_vreg.gather [hbm4b:s9+s6], $0x80, v5, vm0, $0xb8;
	[tilespmem:$0x18480] =	vst v63  }
0x23: {  	s17 =	simm.s32 $0x1400  }
0x24: {  	[tilespmem:s17], [sflag:$0x1] =	stream.indirect_vreg.gather [hbm4b:s10+s6], $0x80, v5, vm0, $0xb8;
	[tilespmem:$0x18480] =	vst v63  }
0x25: {  	s18 =	simm.s32 $0x1C00  }
0x26: {  	[tilespmem:s18], [sflag:$0x1] =	stream.indirect_vreg.gather [hbm4b:s2+s6], $0x80, v4, vm0, $0xb8;
	[tilespmem:$0x18480] =	vst v63  }
0x27: {  	s19 =	simm.s32 $0x2400  }
0x28: {  	[tilespmem:s19], [sflag:$0x1] =	stream.indirect_vreg.gather [hbm4b:s9+s6], $0x80, v4, vm0, $0xb8;
	[tilespmem:$0x18480] =	vst v63  }
0x29: {  	_ = 	snop  }
0x2a: {  	[tilespmem:s20], [sflag:$0x1] =	stream.indirect_vreg.gather [hbm4b:s10+s6], $0x80, v4, vm0, $0xb8;
	[tilespmem:$0x18480] =	vst v63  }
0x2b: {  	v4 =	vld [tilespmem:$0x10];
	_ =	sdelay $0x4  }
0x2c: {  	v5 =	vshrl.u32 v4, $0x3  }
0x2d: {  	v5 =	vmul.u32 $0x30, v5  }
0x2e: {  	v4 =	vand.u32 $0x7, v4  }
0x2f: {  	v4 =	vor.u32 v4, v5  }
0x30: {  	v5 =	vperm.xlane v4, v0;
	_ =	sdelay $0x1  }
0x31: {  	v5 =	vadd.s32 v1, v5;
	_ =	sdelay $0x3  }
0x32: {  	v4 =	vperm.xlane v4, v2  }
0x33: {  	[tilespmem:s21], [sflag:$0x1] =	stream.indirect_vreg.gather [hbm4b:s2+s6], $0x80, v5, vm0, $0xb8;
	[tilespmem:$0x18480] =	vst v63  }
0x34: {  	v4 =	vadd.s32 v1, v4  }
0x35: {  	[tilespmem:s22], [sflag:$0x1] =	stream.indirect_vreg.gather [hbm4b:s9+s6], $0x80, v5, vm0, $0xb8;
	[tilespmem:$0x18480] =	vst v63  }
0x36: {  	_ = 	snop  }
0x37: {  	[tilespmem:s23], [sflag:$0x1] =	stream.indirect_vreg.gather [hbm4b:s10+s6], $0x80, v5, vm0, $0xb8;
	[tilespmem:$0x18480] =	vst v63  }
0x38: {  	_ = 	snop  }
0x39: {  	[tilespmem:s24], [sflag:$0x1] =	stream.indirect_vreg.gather [hbm4b:s2+s6], $0x80, v4, vm0, $0xb8;
	[tilespmem:$0x18480] =	vst v63  }
0x3a: {  	_ = 	snop  }
0x3b: {  	[tilespmem:s25], [sflag:$0x1] =	stream.indirect_vreg.gather [hbm4b:s9+s6], $0x80, v4, vm0, $0xb8;
	[tilespmem:$0x18480] =	vst v63  }
0x3c: {  	_ = 	snop  }
0x3d: {  	[tilespmem:s26], [sflag:$0x1] =	stream.indirect_vreg.gather [hbm4b:s10+s6], $0x80, v4, vm0, $0xb8;
	[tilespmem:$0x18480] =	vst v63  }
0x3e: {  	s3 =	simm.s32 $0x0  }
0x3f: {  	[tilespmem:s28], [sflag:$0x3] =	stream.linear.gather [hbm4b:s11+s6], $0x6000, $0x38;
	[tilespmem:$0x18480] =	vst v63  }
.LBB2_2:
0x40: {  	p0 =	seq.s32 s3, $0x0  }
.Ltmp0:
0x41: {  	_ = 	snop;
	(pc) =	sbr.rel @p0 .LBB2_5-.Ltmp0, $3  }
0x42: {  	_ =	sdelay $0x1  }
0x43: {  	s1 =	sand.u32 $0x1, s3  }
0x44: {  	s4 =	sadd.s32 $0x1, s3;
	s14 =	sxor.u32 $0x1, s1  }
0x45: {  	p0 =	seq.s32 s3, $0x1F  }
.Ltmp1:
0x46: {  	_ = 	snop;
	(pc) =	sbr.rel @p0 .LBB2_6-.Ltmp1, $1  }
0x47: {  	_ =	sdelay $0x3  }
0x48: {  	s15 =	sadd.s32 $0x5, s14  }
0x49: {  	_ =	swait.ge [sflag:s15], $0x6000  }
0x4a: {  	[sflag:s15] =	ssyncset.done $0x0  }
0x4b: {  	[sflag:s15] =	ssyncadd.s32 $0xFFFFA000  }
.LBB2_5:
0x4c: {  	s15 =	sshll.u32 s4, $0x5  }
0x4d: {  	v4 =	vld [tilespmem:s15+$0x0];
	_ =	sdelay $0x4  }
0x4e: {  	v5 =	vshrl.u32 v4, $0x3  }
0x4f: {  	v5 =	vmul.u32 $0x30, v5  }
0x50: {  	v4 =	vand.u32 $0x7, v4  }
0x51: {  	v4 =	vor.u32 v4, v5  }
0x52: {  	v5 =	vperm.xlane v4, v0;
	_ =	sdelay $0x1  }
0x53: {  	v5 =	vadd.s32 v1, v5;
	_ =	sdelay $0x1  }
0x54: {  	s16 =	smul.u32 $0x6000, s14;
	_ =	sdelay $0x1  }
0x55: {  	s18 =	sadd.s32 $0x1, s14;
	s17 =	sor.u32 $0x400, s16;
	v4 =	vperm.xlane v4, v2  }
0x56: {  	[tilespmem:s17], [sflag:s18] =	stream.indirect_vreg.gather [hbm4b:s2+s6], $0x80, v5, vm0, $0xb8;
	[tilespmem:$0x18480] =	vst v63  }
0x57: {  	s19 =	sor.u32 $0xC00, s16;
	v4 =	vadd.s32 v1, v4  }
0x58: {  	[tilespmem:s19], [sflag:s18] =	stream.indirect_vreg.gather [hbm4b:s9+s6], $0x80, v5, vm0, $0xb8;
	[tilespmem:$0x18480] =	vst v63  }
0x59: {  	s19 =	sor.u32 $0x1400, s16  }
0x5a: {  	[tilespmem:s19], [sflag:s18] =	stream.indirect_vreg.gather [hbm4b:s10+s6], $0x80, v5, vm0, $0xb8;
	[tilespmem:$0x18480] =	vst v63  }
0x5b: {  	s19 =	sor.u32 $0x1C00, s16  }
0x5c: {  	[tilespmem:s19], [sflag:s18] =	stream.indirect_vreg.gather [hbm4b:s2+s6], $0x80, v4, vm0, $0xb8;
	[tilespmem:$0x18480] =	vst v63  }
0x5d: {  	s19 =	sadd.s32 $0x2400, s16  }
0x5e: {  	[tilespmem:s19], [sflag:s18] =	stream.indirect_vreg.gather [hbm4b:s9+s6], $0x80, v4, vm0, $0xb8;
	[tilespmem:$0x18480] =	vst v63  }
0x5f: {  	s19 =	sadd.s32 $0x2C00, s16  }
0x60: {  	[tilespmem:s19], [sflag:s18] =	stream.indirect_vreg.gather [hbm4b:s10+s6], $0x80, v4, vm0, $0xb8;
	[tilespmem:$0x18480] =	vst v63  }
0x61: {  	v4 =	vld [tilespmem:s15+$0x10];
	_ =	sdelay $0x4  }
0x62: {  	v5 =	vshrl.u32 v4, $0x3  }
0x63: {  	v5 =	vmul.u32 $0x30, v5  }
0x64: {  	v4 =	vand.u32 $0x7, v4  }
0x65: {  	v4 =	vor.u32 v4, v5  }
0x66: {  	v5 =	vperm.xlane v4, v0;
	_ =	sdelay $0x1  }
0x67: {  	v5 =	vadd.s32 v1, v5;
	_ =	sdelay $0x3  }
0x68: {  	s19 =	sadd.s32 $0x3400, s16;
	v4 =	vperm.xlane v4, v2  }
0x69: {  	[tilespmem:s19], [sflag:s18] =	stream.indirect_vreg.gather [hbm4b:s2+s6], $0x80, v5, vm0, $0xb8;
	[tilespmem:$0x18480] =	vst v63  }
0x6a: {  	v4 =	vadd.s32 v1, v4;
	s19 =	sadd.s32 $0x3C00, s16  }
0x6b: {  	[tilespmem:s19], [sflag:s18] =	stream.indirect_vreg.gather [hbm4b:s9+s6], $0x80, v5, vm0, $0xb8;
	[tilespmem:$0x18480] =	vst v63  }
0x6c: {  	s19 =	sadd.s32 $0x4400, s16  }
0x6d: {  	[tilespmem:s19], [sflag:s18] =	stream.indirect_vreg.gather [hbm4b:s10+s6], $0x80, v5, vm0, $0xb8;
	[tilespmem:$0x18480] =	vst v63  }
0x6e: {  	s15 =	sadd.s32 s7, s15;
	s19 =	sadd.s32 $0x4C00, s16  }
0x6f: {  	[tilespmem:s19], [sflag:s18] =	stream.indirect_vreg.gather [hbm4b:s2+s6], $0x80, v4, vm0, $0xb8;
	[tilespmem:$0x18480] =	vst v63  }
0x70: {  	s15 =	sshrl.u32 s15, $0x3;
	s19 =	sadd.s32 $0x5400, s16  }
0x71: {  	[tilespmem:s19], [sflag:s18] =	stream.indirect_vreg.gather [hbm4b:s9+s6], $0x80, v4, vm0, $0xb8;
	[tilespmem:$0x18480] =	vst v63  }
0x72: {  	s15 =	smul.u32 $0x300, s15;
	s19 =	sadd.s32 $0x5C00, s16  }
0x73: {  	[tilespmem:s19], [sflag:s18] =	stream.indirect_vreg.gather [hbm4b:s10+s6], $0x80, v4, vm0, $0xb8;
	[tilespmem:$0x18480] =	vst v63  }
0x74: {  	s15 =	sadd.s32 s0, s15;
	s16 =	sadd.s32 $0xC400, s16;
	s19 =	sadd.s32 $0x3, s14  }
0x75: {  	[tilespmem:s16], [sflag:s19] =	stream.linear.gather [hbm4b:s15+s6], $0x6000, $0x38;
	[tilespmem:$0x18480] =	vst v63  }
.LBB2_6:
0x76: {  	s14 =	sadd.s32 $0x1, s1  }
0x77: {  	_ =	swait.ge [sflag:s14], $0x6000  }
0x78: {  	[sflag:s14] =	ssyncset.done $0x0  }
0x79: {  	s15 =	sadd.s32 $0x3, s1;
	[sflag:s14] =	ssyncadd.s32 $0xFFFFA000  }
0x7a: {  	_ =	swait.ge [sflag:s15], $0x6000  }
0x7b: {  	s16 =	simm.s32 $0x0;
	[sflag:s15] =	ssyncset.done $0x0  }
0x7c: {  	s14 =	smul.u32 $0x6000, s1;
	[sflag:s15] =	ssyncadd.s32 $0xFFFFA000;
	s15 =	simm.s32 $0x0  }
.LBB2_7:
0x7d: {  	s17 =	sshrl.u32 s16, $0x3  }
0x7e: {  	s17 =	smul.u32 $0x1800, s17;
	_ =	sdelay $0x1  }
0x7f: {  	s18 =	sand.u32 $0x380, s15;
	s17 =	sadd.s32 s14, s17  }
0x80: {  	s19 =	sor.u32 s18, s17  }
0x81: {  	v4 =	vld [tilespmem:s19+$0x400]  }
0x82: {  	v5 =	vld [tilespmem:s19+$0xC400]  }
0x83: {  	v6 =	vld [tilespmem:s19+$0x410]  }
0x84: {  	v7 =	vld [tilespmem:s19+$0xC410]  }
0x85: {  	v8 =	vld [tilespmem:s19+$0x420]  }
0x86: {  	v9 =	vld [tilespmem:s19+$0xC420]  }
0x87: {  	v10 =	vld [tilespmem:s19+$0x430]  }
0x88: {  	v11 =	vld [tilespmem:s19+$0xC430]  }
0x89: {  	v12 =	vld [tilespmem:s19+$0x440]  }
0x8a: {  	v13 =	vld [tilespmem:s19+$0xC440]  }
0x8b: {  	v14 =	vld [tilespmem:s19+$0x450]  }
0x8c: {  	v15 =	vld [tilespmem:s19+$0xC450]  }
0x8d: {  	v16 =	vld [tilespmem:s19+$0x460]  }
0x8e: {  	v17 =	vld [tilespmem:s19+$0xC460]  }
0x8f: {  	v18 =	vld [tilespmem:s19+$0x470]  }
0x90: {  	v19 =	vld [tilespmem:s19+$0xC470]  }
0x91: {  	v20 =	vld [tilespmem:s19+$0x800]  }
0x92: {  	v21 =	vld [tilespmem:s19+$0xC800]  }
0x93: {  	v22 =	vld [tilespmem:s19+$0x810]  }
0x94: {  	v23 =	vld [tilespmem:s19+$0xC810];
	v4 =	vmul.f32 v4, v3  }
0x95: {  	v24 =	vld [tilespmem:s19+$0x820];
	v6 =	vmul.f32 v6, v3  }
0x96: {  	v61 =	vld [tilespmem:s19+$0xC820];
	v4 =	vadd.f32 v5, v4;
	v5 =	vmul.f32 v8, v3  }
0x97: {  	v63 =	vld [tilespmem:s19+$0x830];
	v62 =	vmul.f32 v10, v3;
	v6 =	vadd.f32 v7, v6  }
0x98: {  	v25 =	vld [tilespmem:s19+$0xC830];
	[tilespmem:s19+$0xC400] =	vst v4;
	v4 =	vadd.f32 v9, v5;
	v5 =	vmul.f32 v12, v3  }
0x99: {  	v28 =	vld [tilespmem:s19+$0x840];
	v27 =	vmul.f32 v14, v3;
	v26 =	vadd.f32 v11, v62;
	[tilespmem:s19+$0xC410] =	vst v6  }
0x9a: {  	v29 =	vld [tilespmem:s19+$0xC840];
	[tilespmem:s19+$0xC420] =	vst v4;
	v4 =	vadd.f32 v13, v5;
	v5 =	vmul.f32 v16, v3  }
0x9b: {  	v32 =	vld [tilespmem:s19+$0x850];
	v31 =	vmul.f32 v18, v3;
	v30 =	vadd.f32 v15, v27;
	[tilespmem:s19+$0xC430] =	vst v26  }
0x9c: {  	v33 =	vld [tilespmem:s19+$0xC850];
	[tilespmem:s19+$0xC440] =	vst v4;
	v4 =	vadd.f32 v17, v5;
	v5 =	vmul.f32 v20, v3  }
0x9d: {  	v36 =	vld [tilespmem:s19+$0x860];
	v35 =	vmul.f32 v22, v3;
	v34 =	vadd.f32 v19, v31;
	[tilespmem:s19+$0xC450] =	vst v30  }
0x9e: {  	v37 =	vld [tilespmem:s19+$0x870];
	[tilespmem:s19+$0xC460] =	vst v4;
	v4 =	vadd.f32 v21, v5;
	v5 =	vmul.f32 v24, v3  }
0x9f: {  	v40 =	vld [tilespmem:s19+$0xC860];
	v39 =	vmul.f32 v63, v3;
	v38 =	vadd.f32 v23, v35;
	[tilespmem:s19+$0xC470] =	vst v34  }
0xa0: {  	v41 =	vld [tilespmem:s19+$0xC870];
	[tilespmem:s19+$0xC800] =	vst v4;
	v4 =	vadd.f32 v61, v5;
	v5 =	vmul.f32 v28, v3  }
0xa1: {  	v43 =	vmul.f32 v32, v3;
	v42 =	vadd.f32 v25, v39;
	[tilespmem:s19+$0xC810] =	vst v38  }
0xa2: {  	[tilespmem:s19+$0xC820] =	vst v4;
	v4 =	vadd.f32 v29, v5;
	v5 =	vmul.f32 v36, v3  }
0xa3: {  	v45 =	vmul.f32 v37, v3;
	v44 =	vadd.f32 v33, v43;
	[tilespmem:s19+$0xC830] =	vst v42  }
0xa4: {  	[tilespmem:s19+$0xC840] =	vst v4;
	v4 =	vadd.f32 v40, v5  }
0xa5: {  	[tilespmem:s19+$0xC850] =	vst v44;
	v5 =	vadd.f32 v41, v45  }
0xa6: {  	[tilespmem:s19+$0xC860] =	vst v4  }
0xa7: {  	s17 =	sadd.s32 s18, s17;
	[tilespmem:s19+$0xC870] =	vst v5  }
0xa8: {  	v4 =	vld [tilespmem:s17+$0xC00]  }
0xa9: {  	v5 =	vld [tilespmem:s17+$0xCC00]  }
0xaa: {  	v6 =	vld [tilespmem:s17+$0xC10]  }
0xab: {  	v46 =	vld [tilespmem:s17+$0xCC10]  }
0xac: {  	v47 =	vld [tilespmem:s17+$0xC20]  }
0xad: {  	v48 =	vld [tilespmem:s17+$0xCC20]  }
0xae: {  	v49 =	vld [tilespmem:s17+$0xC30]  }
0xaf: {  	v50 =	vld [tilespmem:s17+$0xCC30]  }
0xb0: {  	v51 =	vld [tilespmem:s17+$0xC40]  }
0xb1: {  	v52 =	vld [tilespmem:s17+$0xCC40]  }
0xb2: {  	v53 =	vld [tilespmem:s17+$0xC50]  }
0xb3: {  	v54 =	vld [tilespmem:s17+$0xCC50]  }
0xb4: {  	v55 =	vld [tilespmem:s17+$0xC60]  }
0xb5: {  	v56 =	vld [tilespmem:s17+$0xCC60]  }
0xb6: {  	v57 =	vld [tilespmem:s17+$0xC70]  }
0xb7: {  	v58 =	vld [tilespmem:s17+$0xCC70]  }
0xb8: {  	v59 =	vld [tilespmem:s17+$0x1000]  }
0xb9: {  	v60 =	vld [tilespmem:s17+$0xD000]  }
0xba: {  	v61 =	vld [tilespmem:s17+$0x1010]  }
0xbb: {  	v62 =	vld [tilespmem:s17+$0xD010]  }
0xbc: {  	v63 =	vld [tilespmem:s17+$0x1020]  }
0xbd: {  	v25 =	vld [tilespmem:s17+$0xD020]  }
0xbe: {  	v26 =	vld [tilespmem:s17+$0x1030]  }
0xbf: {  	v27 =	vld [tilespmem:s17+$0xD030]  }
0xc0: {  	v28 =	vld [tilespmem:s17+$0x1040]  }
0xc1: {  	v29 =	vld [tilespmem:s17+$0xD040]  }
0xc2: {  	v30 =	vld [tilespmem:s17+$0x1050]  }
0xc3: {  	v31 =	vld [tilespmem:s17+$0xD050]  }
0xc4: {  	v32 =	vld [tilespmem:s17+$0x1060]  }
0xc5: {  	v33 =	vld [tilespmem:s17+$0xD060]  }
0xc6: {  	v34 =	vld [tilespmem:s17+$0x1070]  }
0xc7: {  	v35 =	vld [tilespmem:s17+$0xD070]  }
0xc8: {  	v36 =	vld [tilespmem:s17+$0x1400]  }
0xc9: {  	v37 =	vld [tilespmem:s17+$0xD400]  }
0xca: {  	v38 =	vld [tilespmem:s17+$0x1410]  }
0xcb: {  	v39 =	vld [tilespmem:s17+$0xD410];
	v4 =	vmul.f32 v4, v3;
	v6 =	vmul.f32 v6, v3  }
0xcc: {  	v40 =	vld [tilespmem:s17+$0x1420];
	v45 =	vmul.f32 v49, v3;
	v49 =	vmul.f32 v53, v3  }
0xcd: {  	v44 =	vld [tilespmem:s17+$0xD420];
	v53 =	vmul.f32 v57, v3;
	v4 =	vadd.f32 v5, v4;
	v5 =	vmul.f32 v47, v3  }
0xce: {  	v42 =	vld [tilespmem:s17+$0x1830];
	v57 =	vmul.f32 v61, v3;
	v61 =	vmul.f32 v26, v3;
	v6 =	vadd.f32 v46, v6  }
0xcf: {  	v43 =	vld [tilespmem:s17+$0xD830];
	[tilespmem:s17+$0xCC00] =	vst v4;
	v4 =	vadd.f32 v48, v5;
	v5 =	vmul.f32 v51, v3  }
0xd0: {  	v46 =	vld [tilespmem:s17+$0x1430];
	v26 =	vadd.f32 v27, v61;
	[tilespmem:s17+$0xCC10] =	vst v6  }
0xd1: {  	v47 =	vld [tilespmem:s17+$0xD430];
	[tilespmem:s17+$0xCC20] =	vst v4;
	v4 =	vadd.f32 v52, v5;
	v5 =	vmul.f32 v55, v3  }
0xd2: {  	v27 =	vmul.f32 v30, v3;
	v48 =	vadd.f32 v50, v45;
	v50 =	vld [tilespmem:s17+$0x1440];
	[tilespmem:s17+$0xD030] =	vst v26  }
0xd3: {  	v51 =	vld [tilespmem:s17+$0xD440];
	[tilespmem:s17+$0xCC40] =	vst v4;
	v4 =	vadd.f32 v56, v5;
	v5 =	vmul.f32 v59, v3  }
0xd4: {  	v30 =	vadd.f32 v31, v27;
	v31 =	vmul.f32 v34, v3;
	[tilespmem:s17+$0xCC30] =	vst v48;
	v52 =	vadd.f32 v54, v49;
	v54 =	vld [tilespmem:s17+$0x1450]  }
0xd5: {  	v55 =	vld [tilespmem:s17+$0xD450];
	[tilespmem:s17+$0xCC60] =	vst v4;
	v4 =	vadd.f32 v60, v5;
	v5 =	vmul.f32 v63, v3  }
0xd6: {  	[tilespmem:s17+$0xD050] =	vst v30;
	v34 =	vadd.f32 v35, v31;
	v35 =	vmul.f32 v38, v3;
	v38 =	vld [tilespmem:s17+$0xD820]  }
0xd7: {  	v41 =	vmul.f32 v46, v3;
	v46 =	vld [tilespmem:s17+$0x1840];
	[tilespmem:s17+$0xD000] =	vst v4;
	v4 =	vadd.f32 v25, v5;
	v5 =	vmul.f32 v28, v3  }
0xd8: {  	[tilespmem:s17+$0xCC50] =	vst v52;
	v56 =	vadd.f32 v58, v53;
	v58 =	vld [tilespmem:s17+$0x1460]  }
0xd9: {  	v59 =	vld [tilespmem:s17+$0xD460];
	[tilespmem:s17+$0xD020] =	vst v4;
	v4 =	vadd.f32 v29, v5;
	v5 =	vmul.f32 v32, v3  }
0xda: {  	[tilespmem:s17+$0xD070] =	vst v34;
	v60 =	vadd.f32 v62, v57;
	v62 =	vld [tilespmem:s17+$0x1470]  }
0xdb: {  	v63 =	vld [tilespmem:s17+$0xD470];
	[tilespmem:s17+$0xD040] =	vst v4;
	v4 =	vadd.f32 v33, v5;
	v5 =	vmul.f32 v36, v3  }
0xdc: {  	[tilespmem:s17+$0xCC70] =	vst v56;
	v57 =	vmul.f32 v42, v3;
	v45 =	vmul.f32 v54, v3;
	v54 =	vld [tilespmem:s17+$0x1860]  }
0xdd: {  	v28 =	vld [tilespmem:s17+$0x1800];
	[tilespmem:s17+$0xD060] =	vst v4;
	v4 =	vadd.f32 v37, v5;
	v5 =	vmul.f32 v40, v3  }
0xde: {  	[tilespmem:s17+$0xD010] =	vst v60;
	v60 =	vadd.f32 v43, v57;
	v48 =	vadd.f32 v55, v45;
	v55 =	vld [tilespmem:s17+$0x1870]  }
0xdf: {  	v29 =	vld [tilespmem:s17+$0xD800];
	[tilespmem:s17+$0xD400] =	vst v4;
	v4 =	vadd.f32 v44, v5;
	v5 =	vmul.f32 v50, v3  }
0xe0: {  	[tilespmem:s17+$0xD830] =	vst v60;
	v49 =	vmul.f32 v62, v3;
	v36 =	vld [tilespmem:s17+$0x1820]  }
0xe1: {  	v32 =	vld [tilespmem:s17+$0x1810];
	[tilespmem:s17+$0xD420] =	vst v4;
	v4 =	vadd.f32 v51, v5;
	v5 =	vmul.f32 v58, v3  }
0xe2: {  	[tilespmem:s17+$0xD450] =	vst v48;
	v33 =	vld [tilespmem:s17+$0xD810];
	v52 =	vadd.f32 v63, v49  }
0xe3: {  	v50 =	vld [tilespmem:s17+$0x1850];
	[tilespmem:s17+$0xD440] =	vst v4;
	v4 =	vadd.f32 v59, v5;
	v5 =	vmul.f32 v28, v3  }
0xe4: {  	v40 =	vadd.f32 v39, v35;
	[tilespmem:s17+$0xD470] =	vst v52;
	v44 =	vadd.f32 v47, v41;
	v47 =	vld [tilespmem:s17+$0xD840]  }
0xe5: {  	v51 =	vld [tilespmem:s17+$0xD850];
	[tilespmem:s17+$0xD460] =	vst v4;
	v4 =	vadd.f32 v29, v5;
	v5 =	vmul.f32 v36, v3  }
0xe6: {  	v53 =	vmul.f32 v32, v3;
	[tilespmem:s17+$0xD410] =	vst v40;
	v58 =	vld [tilespmem:s17+$0xD860]  }
0xe7: {  	v59 =	vld [tilespmem:s17+$0xD870];
	[tilespmem:s17+$0xD800] =	vst v4;
	v4 =	vadd.f32 v38, v5;
	v5 =	vmul.f32 v46, v3  }
0xe8: {  	v56 =	vadd.f32 v33, v53;
	[tilespmem:s17+$0xD430] =	vst v44;
	v61 =	vmul.f32 v50, v3  }
0xe9: {  	p0 =	sne.s32 s16, $0x1F;
	[tilespmem:s17+$0xD820] =	vst v4;
	v4 =	vadd.f32 v47, v5;
	v5 =	vmul.f32 v54, v3  }
.Ltmp2:
0xea: {  	v63 =	vmul.f32 v55, v3;
	[tilespmem:s17+$0xD810] =	vst v56;
	v62 =	vadd.f32 v51, v61;
	(pc) =	sbr.rel @p0 .LBB2_7-.Ltmp2, $4  }
0xeb: {  	[tilespmem:s17+$0xD840] =	vst v4;
	v4 =	vadd.f32 v58, v5  }
0xec: {  	[tilespmem:s17+$0xD850] =	vst v62;
	v5 =	vadd.f32 v59, v63  }
0xed: {  	[tilespmem:s17+$0xD860] =	vst v4  }
0xee: {  	s15 =	sadd.s32 $0x80, s15;
	s16 =	sadd.s32 $0x1, s16;
	[tilespmem:s17+$0xD870] =	vst v5  }
0xef: {  	s3 =	sshll.u32 s3, $0x5  }
0xf0: {  	s3 =	sadd.s32 s7, s3  }
0xf1: {  	s3 =	sshrl.u32 s3, $0x3  }
0xf2: {  	p0 =	sne.s32 s4, $0x20;
	s3 =	smul.u32 $0x300, s3  }
.Ltmp3:
0xf3: {  	_ = 	snop;
	(pc) =	sbr.rel @p0 .LBB2_2-.Ltmp3, $4  }
0xf4: {  	_ = 	snop  }
0xf5: {  	s14 =	sadd.s32 $0xC400, s14;
	s1 =	sadd.s32 $0x5, s1;
	s3 =	sadd.s32 s5, s3  }
0xf6: {  	[hbm4b:s3+s6] =	stream.linear.scatter [tilespmem:s14], [sflag:s1], $0x6000, $0x38;
	[tilespmem:$0x18480] =	vst v63  }
0xf7: {  	s3 =	smov.u32 s4  }
0xf8: {  	s31 =	sadd.s32 $0x1, s31  }
0xf9: {  	_ =	swait.ge [sflag:s29], $0x6000;
	p0 =	sne.s32 s31, s12  }
.Ltmp4:
0xfa: {  	[sflag:s29] =	ssyncset.done $0x0;
	(pc) =	sbr.rel @p0 .LBB2_1-.Ltmp4, $4  }
0xfb: {  	[sflag:s29] =	ssyncadd.s32 $0xFFFFA000  }
0xfc: {  	_ =	swait.ge [sflag:s30], $0x6000  }
0xfd: {  	[sflag:s30] =	ssyncset.done $0x0  }
0xfe: {  	[sflag:s30] =	ssyncadd.s32 $0xFFFFA000  }
0xff: {  	_ =	sfence.sel $0x180000  }
0x100: {  	[bflag:$0x0] =	sbarrier.arrive $0xFFFF  }
0x101: {  	_ =	strace $0x90000047  }
0x102: {  	s0 =	stileid.u32;
	[bflag:$0x2] =	sbarrier.arrive $0xFFFF  }
0x103: {  	p0 =	sne.s32 s0, $0x0;
	s0 =	rddreg [dreg:$0x5]  }
0x104: {  	s0 =	sadd.s32 @!p0 $0x100000, s0  }
0x105: {  	[sflag:s0] =	ssyncadd.tile.s32 @!p0 $0x1;
	_ =	shalt  }
.Lfunc_end2:
_tile_overlayer_lowered:
.L_overlay_start_2:
0x106: {  	(tag) =	ssettag $0x2  }
0x107: {  	s0 =	rddreg [dreg:$0x0];
	s2 =	stileid.u32  }
0x108: {  	s1 =	rddreg [dreg:$0x1];
	p0 =	sne.s32 s2, $0x0  }
0x109: {  	s3 =	rddreg [dreg:$0x2];
	[bflag:$0x3] =	sbarrier.arrive $0xFFFF;
	s2 =	simm.s32 @!p0 $0x1C07  }
0x10a: {  	[timem:s3], [sflag:s2] =	dma.local @!p0 [hbm:s0], s1  }
0x10b: {  	s0 =	simm.s32 @!p0 $0x7  }
0x10c: {  	_ =	swait.ge @!p0 [sflag:s0], s1  }
0x10d: {  	s1 =	ssub.s32 @!p0 $0x0, s1;
	[sflag:s0] =	ssyncset.done @!p0 $0x0  }
0x10e: {  	[sflag:s0] =	ssyncadd.s32 @!p0 s1  }
0x10f: {  	[bflag:$0x3] =	sbarrier.arrive $0xFFFF  }
0x110: {  	_ =	shalt  }

</sc_bundles>
